<compile_context>
chip_gen: v7x
topology: tpu7x:2x2x1
jax: 0.10.2.dev20260603
libtpu: 0.0.44.dev20260713+nightly
codegen_flags: <defaults>
</compile_context>

<pallas_src>
import functools

import jax
import jax.numpy as jnp
from jax import lax
from jax.experimental import pallas as pl
from jax.experimental.pallas import tpu as pltpu
from jax.experimental.pallas import tpu_sc as plsc

DICT_LEN = 1000000
QUESTION_DIM = 32
BATCH = 16384
HIST = 50
TOTAL = BATCH * HIST

NUM_CORES = 2
NUM_SUBCORES = 16
NW = NUM_CORES * NUM_SUBCORES
PER_W = TOTAL // NW
CHUNK = 128
NCHUNK = PER_W // CHUNK
NBUF = 8
PREFETCH = 4
NGRP = NCHUNK // NBUF

_MESH = plsc.VectorSubcoreMesh(core_axis_name="c", subcore_axis_name="s")


@functools.partial(
    pl.kernel,
    mesh=_MESH,
    compiler_params=pltpu.CompilerParams(use_tc_tiling_on_sc=False),
    out_type=jax.ShapeDtypeStruct((TOTAL, QUESTION_DIM), jnp.float32),
    scratch_types=[
        pltpu.VMEM((NCHUNK, CHUNK), jnp.int32),
        pltpu.VMEM((NBUF, CHUNK, QUESTION_DIM), jnp.float32),
        [pltpu.SemaphoreType.DMA] * NBUF,
        [pltpu.SemaphoreType.DMA] * NBUF,
    ],
)
def _gather_kernel(table_hbm, idx_hbm, out_hbm, idx_v, rows_v, gsems, osems):
    wid = lax.axis_index("s") * NUM_CORES + lax.axis_index("c")
    base = wid * PER_W
    pltpu.sync_copy(idx_hbm.at[wid], idx_v)

    def fire_gather(chunk, buf):
        pltpu.async_copy(
            table_hbm.at[idx_v.at[chunk]], rows_v.at[buf], gsems[buf]
        )

    def wait_gather(buf):
        pltpu.make_async_copy(
            table_hbm.at[pl.ds(0, CHUNK)], rows_v.at[buf], gsems[buf]
        ).wait()

    def fire_write(chunk, buf):
        pltpu.async_copy(
            rows_v.at[buf], out_hbm.at[pl.ds(base + chunk * CHUNK, CHUNK)],
            osems[buf],
        )

    def wait_write(buf):
        pltpu.make_async_copy(
            rows_v.at[buf], out_hbm.at[pl.ds(base, CHUNK)], osems[buf]
        ).wait()

    for b in range(PREFETCH):
        fire_gather(b, b)

    def group_body(g, carry):
        for b in range(NBUF):
            j = g * NBUF + b
            f = (b + PREFETCH) % NBUF
            jf = j + PREFETCH

            @pl.when(jf >= NBUF)
            def _():
                wait_write(f)

            @pl.when(jf < NCHUNK)
            def _():
                fire_gather(jf, f)

            wait_gather(b)
            fire_write(j, b)
        return carry

    lax.fori_loop(0, NGRP, group_body, 0)

    for b in range(NBUF - PREFETCH):
        buf = (b + PREFETCH) % NBUF
        wait_write(buf)



def _eye32():
    r = lax.broadcasted_iota(jnp.int32, (QUESTION_DIM, QUESTION_DIM), 0)
    c = lax.broadcasted_iota(jnp.int32, (QUESTION_DIM, QUESTION_DIM), 1)
    return (r == c).astype(jnp.float32)



_TBL_COLS = 8192
_TBL_M = _TBL_COLS // 4
_TBL_BLOCKS = (DICT_LEN + _TBL_COLS - 1) // _TBL_COLS
_TBL_ROWS = _TBL_BLOCKS * _TBL_M


def _tbl_xform_body(x_ref, o_ref):
    x = x_ref[...]
    for q in range(4):
        xq = x[:, q * _TBL_M:(q + 1) * _TBL_M]
        yq = lax.dot_general(
            xq, _eye32(), (((0,), (0,)), ((), ())),
            preferred_element_type=jnp.float32,
            precision=lax.Precision.HIGHEST,
        )
        o_ref[:, q * QUESTION_DIM:(q + 1) * QUESTION_DIM] = yq


_tbl_xform = pl.pallas_call(
    _tbl_xform_body,
    grid=(_TBL_BLOCKS,),
    in_specs=[pl.BlockSpec((QUESTION_DIM, _TBL_COLS), lambda i: (0, i))],
    out_specs=pl.BlockSpec((_TBL_M, 128), lambda i: (i, 0)),
    out_shape=jax.ShapeDtypeStruct((_TBL_ROWS, 128), jnp.float32),
)


_BC = 4096
_BM = _BC // 4
_NBB = BATCH // _BC


def _out_xform_body(x_ref, o_ref):
    x = x_ref[...]
    for q in range(4):
        xq = x[:, q * QUESTION_DIM:(q + 1) * QUESTION_DIM]
        yq = lax.dot_general(
            _eye32(), xq, (((1,), (1,)), ((), ())),
            preferred_element_type=jnp.float32,
            precision=lax.Precision.HIGHEST,
        )
        o_ref[0, :, q * _BM:(q + 1) * _BM] = yq


_out_xform = pl.pallas_call(
    _out_xform_body,
    grid=(HIST, _NBB),
    in_specs=[pl.BlockSpec(
        (_BM, 128), lambda h, j: (h * _NBB + j, 0))],
    out_specs=pl.BlockSpec(
        (1, QUESTION_DIM, _BC), lambda h, j: (h, 0, j)),
    out_shape=jax.ShapeDtypeStruct((HIST, QUESTION_DIM, BATCH), jnp.float32),
)


def kernel(question, weight):
    qt = question.T.reshape(HIST, _NBB, 4, _BM)
    idx = qt.transpose(0, 1, 3, 2).reshape(NW, NCHUNK, CHUNK).astype(jnp.int32)
    blk = idx // _TBL_COLS
    off = idx % _TBL_COLS
    idx = blk * _TBL_COLS + 4 * (off % _TBL_M) + off // _TBL_M
    table = _tbl_xform(weight.T).reshape(_TBL_ROWS * 4, QUESTION_DIM)
    flat = _gather_kernel(table, idx)
    out = _out_xform(flat.reshape(TOTAL // 4, 128))
    return out.transpose(2, 0, 1)

# --- scband reference (transcript-rebuilt; emitter-appended) ---
"""Pipeline reference for scband-question-network-77326591197602 (READ-ONLY COPY).

The authoritative reference and input builder live on the scoring server;
editing this copy changes nothing except your own understanding.
"""

import jax, jax.numpy as jnp
import numpy as np

DICT_LEN = 1000000
QUESTION_DIM = 32
BATCH = 16384
HIST = 50


def setup_inputs(seed: int = 0) -> dict:
    key = jax.random.key(seed)
    k1, k2 = jax.random.split(key)
    question = jax.random.randint(k1, (BATCH, HIST), 0, DICT_LEN, dtype=jnp.int64 if jax.config.jax_enable_x64 else jnp.int32)
    weight = jax.random.uniform(k2, (DICT_LEN, QUESTION_DIM), dtype=jnp.float32)
    return {"question": question, "weight": weight}


def reference(question, weight):
    # nn.Embedding lookup: table[idx]
    q_t = jnp.take(weight, question, axis=0)
    return q_t

if __name__ == "__main__":
    import jax
    _d = setup_inputs()
    print(jax.jit(kernel)(*tuple(_d.values())))

</pallas_src>

<mosaic_0001>
#map = affine_map<(d0, d1) -> (0, 0)>
#map1 = affine_map<(d0, d1) -> (0, 0, 0)>
module attributes {stable_mosaic.version = 14 : i64} {
  func.func @_gather_kernel(%arg0: i32, %arg1: i32, %arg2: memref<1007616x32xf32, #tpu.memory_space<hbm>>, %arg3: memref<32x200x128xi32, #tpu.memory_space<hbm>>, %arg4: memref<819200x32xf32, #tpu.memory_space<hbm>>, %arg5: memref<200x128xi32, #tpu.memory_space<vmem>>, %arg6: memref<8x128x32xf32, #tpu.memory_space<vmem>>, %arg7: memref<!tpu.dma_semaphore, #tpu.memory_space<semaphore_mem>>, %arg8: memref<!tpu.dma_semaphore, #tpu.memory_space<semaphore_mem>>, %arg9: memref<!tpu.dma_semaphore, #tpu.memory_space<semaphore_mem>>, %arg10: memref<!tpu.dma_semaphore, #tpu.memory_space<semaphore_mem>>, %arg11: memref<!tpu.dma_semaphore, #tpu.memory_space<semaphore_mem>>, %arg12: memref<!tpu.dma_semaphore, #tpu.memory_space<semaphore_mem>>, %arg13: memref<!tpu.dma_semaphore, #tpu.memory_space<semaphore_mem>>, %arg14: memref<!tpu.dma_semaphore, #tpu.memory_space<semaphore_mem>>, %arg15: memref<!tpu.dma_semaphore, #tpu.memory_space<semaphore_mem>>, %arg16: memref<!tpu.dma_semaphore, #tpu.memory_space<semaphore_mem>>, %arg17: memref<!tpu.dma_semaphore, #tpu.memory_space<semaphore_mem>>, %arg18: memref<!tpu.dma_semaphore, #tpu.memory_space<semaphore_mem>>, %arg19: memref<!tpu.dma_semaphore, #tpu.memory_space<semaphore_mem>>, %arg20: memref<!tpu.dma_semaphore, #tpu.memory_space<semaphore_mem>>, %arg21: memref<!tpu.dma_semaphore, #tpu.memory_space<semaphore_mem>>, %arg22: memref<!tpu.dma_semaphore, #tpu.memory_space<semaphore_mem>>) attributes {dimension_semantics = [#tpu.dimension_semantics<core_parallel>, #tpu.dimension_semantics<subcore_parallel>], iteration_bounds = array<i64: 2, 16>, scalar_prefetch = 0 : i64, scratch_operands = 18 : i64, tpu.core_type = #tpu.core_type<sc_vector_subcore>, window_params = [{transform_indices = #map}, {transform_indices = #map1}, {transform_indices = #map}]} {
    %mul3A = arith.constant 2 : i32
    %mul3A_0 = arith.muli %arg1, %mul3A : i32
    %add3A = arith.addi %mul3A_0, %arg0 : i32
    %mul3A_1 = arith.constant 25600 : i32
    %mul3A_2 = arith.muli %add3A, %mul3A_1 : i32
    "tpu.region"() ({
      %run_scoped3A = tpu.sem_alloc : memref<!tpu.dma_semaphore, #tpu.memory_space<semaphore_mem>>
      %dma_start3A_106 = arith.constant 0 : i32
      %dma_start3A_107 = arith.constant 0 : i32
      %dma_start3A_108 = tpu.memref_slice %arg3[%add3A, %dma_start3A_106, %dma_start3A_107] : memref<32x200x128xi32, #tpu.memory_space<hbm>> -> memref<1x200x128xi32, #tpu.memory_space<hbm>>
      %dma_start3A_109 = tpu.memref_squeeze %dma_start3A_108 : memref<1x200x128xi32, #tpu.memory_space<hbm>> -> memref<200x128xi32, #tpu.memory_space<hbm>>
      %dma_start3A_110 = arith.constant 0 : i32
      %dma_start3A_111 = arith.constant 0 : i32
      %dma_start3A_112 = tpu.memref_slice %arg3[%add3A, %dma_start3A_110, %dma_start3A_111] : memref<32x200x128xi32, #tpu.memory_space<hbm>> -> memref<1x200x128xi32, #tpu.memory_space<hbm>>
      %dma_start3A_113 = tpu.memref_squeeze %dma_start3A_112 : memref<1x200x128xi32, #tpu.memory_space<hbm>> -> memref<200x128xi32, #tpu.memory_space<hbm>>
      tpu.enqueue_dma source(%dma_start3A_113 : memref<200x128xi32, #tpu.memory_space<hbm>>) target(%arg5 : memref<200x128xi32, #tpu.memory_space<vmem>>) target_semaphore(%run_scoped3A : memref<!tpu.dma_semaphore, #tpu.memory_space<semaphore_mem>>)
      %dma_wait3A_114 = arith.constant 0 : i32
      %dma_wait3A_115 = arith.constant 0 : i32
      %dma_wait3A_116 = tpu.memref_slice %arg3[%add3A, %dma_wait3A_114, %dma_wait3A_115] : memref<32x200x128xi32, #tpu.memory_space<hbm>> -> memref<1x200x128xi32, #tpu.memory_space<hbm>>
      %dma_wait3A_117 = tpu.memref_squeeze %dma_wait3A_116 : memref<1x200x128xi32, #tpu.memory_space<hbm>> -> memref<200x128xi32, #tpu.memory_space<hbm>>
      %dma_wait3A_118 = arith.constant 0 : i32
      %dma_wait3A_119 = arith.constant 0 : i32
      %dma_wait3A_120 = tpu.memref_slice %arg3[%add3A, %dma_wait3A_118, %dma_wait3A_119] : memref<32x200x128xi32, #tpu.memory_space<hbm>> -> memref<1x200x128xi32, #tpu.memory_space<hbm>>
      %dma_wait3A_121 = tpu.memref_squeeze %dma_wait3A_120 : memref<1x200x128xi32, #tpu.memory_space<hbm>> -> memref<200x128xi32, #tpu.memory_space<hbm>>
      tpu.wait_dma2 semaphore(%run_scoped3A : memref<!tpu.dma_semaphore, #tpu.memory_space<semaphore_mem>>) src(%dma_wait3A_121 : memref<200x128xi32, #tpu.memory_space<hbm>>) dst(%arg5 : memref<200x128xi32, #tpu.memory_space<vmem>>)
      tpu.yield
    }) : () -> ()
    %dma_start3A = arith.constant 0 : i32
    %dma_start3A_3 = arith.constant 0 : i32
    %dma_start3A_4 = arith.constant 0 : i32
    %dma_start3A_5 = arith.constant 0 : i32
    %dma_start3A_6 = tpu.memref_slice %arg6[%dma_start3A_3, %dma_start3A_4, %dma_start3A_5] : memref<8x128x32xf32, #tpu.memory_space<vmem>> -> memref<1x128x32xf32, #tpu.memory_space<vmem>>
    %dma_start3A_7 = tpu.memref_squeeze %dma_start3A_6 : memref<1x128x32xf32, #tpu.memory_space<vmem>> -> memref<128x32xf32, #tpu.memory_space<vmem>>
    %dma_start3A_8 = arith.constant 0 : i32
    %dma_start3A_9 = tpu.memref_slice %arg5[%dma_start3A, %dma_start3A_8] : memref<200x128xi32, #tpu.memory_space<vmem>> -> memref<1x128xi32, #tpu.memory_space<vmem>>
    %dma_start3A_10 = tpu.memref_squeeze %dma_start3A_9 : memref<1x128xi32, #tpu.memory_space<vmem>> -> memref<128xi32, #tpu.memory_space<vmem>>
    %dma_start3A_11 = arith.constant 0 : i32
    %dma_start3A_12 = arith.constant 0 : i32
    %dma_start3A_13 = tpu.memref_slice %arg2[%dma_start3A_11, %dma_start3A_12] : memref<1007616x32xf32, #tpu.memory_space<hbm>> -> memref<1007616x32xf32, #tpu.memory_space<hbm>>
    tpu.enqueue_indirect_dma source(%dma_start3A_13 : memref<1007616x32xf32, #tpu.memory_space<hbm>>) target(%dma_start3A_7 : memref<128x32xf32, #tpu.memory_space<vmem>>) offsets(%dma_start3A_10 : memref<128xi32, #tpu.memory_space<vmem>>) semaphore(%arg7 : memref<!tpu.dma_semaphore, #tpu.memory_space<semaphore_mem>>)
    %dma_start3A_14 = arith.constant 1 : i32
    %dma_start3A_15 = arith.constant 1 : i32
    %dma_start3A_16 = arith.constant 0 : i32
    %dma_start3A_17 = arith.constant 0 : i32
    %dma_start3A_18 = tpu.memref_slice %arg6[%dma_start3A_15, %dma_start3A_16, %dma_start3A_17] : memref<8x128x32xf32, #tpu.memory_space<vmem>> -> memref<1x128x32xf32, #tpu.memory_space<vmem>>
    %dma_start3A_19 = tpu.memref_squeeze %dma_start3A_18 : memref<1x128x32xf32, #tpu.memory_space<vmem>> -> memref<128x32xf32, #tpu.memory_space<vmem>>
    %dma_start3A_20 = arith.constant 0 : i32
    %dma_start3A_21 = tpu.memref_slice %arg5[%dma_start3A_14, %dma_start3A_20] : memref<200x128xi32, #tpu.memory_space<vmem>> -> memref<1x128xi32, #tpu.memory_space<vmem>>
    %dma_start3A_22 = tpu.memref_squeeze %dma_start3A_21 : memref<1x128xi32, #tpu.memory_space<vmem>> -> memref<128xi32, #tpu.memory_space<vmem>>
    %dma_start3A_23 = arith.constant 0 : i32
    %dma_start3A_24 = arith.constant 0 : i32
    %dma_start3A_25 = tpu.memref_slice %arg2[%dma_start3A_23, %dma_start3A_24] : memref<1007616x32xf32, #tpu.memory_space<hbm>> -> memref<1007616x32xf32, #tpu.memory_space<hbm>>
    tpu.enqueue_indirect_dma source(%dma_start3A_25 : memref<1007616x32xf32, #tpu.memory_space<hbm>>) target(%dma_start3A_19 : memref<128x32xf32, #tpu.memory_space<vmem>>) offsets(%dma_start3A_22 : memref<128xi32, #tpu.memory_space<vmem>>) semaphore(%arg8 : memref<!tpu.dma_semaphore, #tpu.memory_space<semaphore_mem>>)
    %dma_start3A_26 = arith.constant 2 : i32
    %dma_start3A_27 = arith.constant 2 : i32
    %dma_start3A_28 = arith.constant 0 : i32
    %dma_start3A_29 = arith.constant 0 : i32
    %dma_start3A_30 = tpu.memref_slice %arg6[%dma_start3A_27, %dma_start3A_28, %dma_start3A_29] : memref<8x128x32xf32, #tpu.memory_space<vmem>> -> memref<1x128x32xf32, #tpu.memory_space<vmem>>
    %dma_start3A_31 = tpu.memref_squeeze %dma_start3A_30 : memref<1x128x32xf32, #tpu.memory_space<vmem>> -> memref<128x32xf32, #tpu.memory_space<vmem>>
    %dma_start3A_32 = arith.constant 0 : i32
    %dma_start3A_33 = tpu.memref_slice %arg5[%dma_start3A_26, %dma_start3A_32] : memref<200x128xi32, #tpu.memory_space<vmem>> -> memref<1x128xi32, #tpu.memory_space<vmem>>
    %dma_start3A_34 = tpu.memref_squeeze %dma_start3A_33 : memref<1x128xi32, #tpu.memory_space<vmem>> -> memref<128xi32, #tpu.memory_space<vmem>>
    %dma_start3A_35 = arith.constant 0 : i32
    %dma_start3A_36 = arith.constant 0 : i32
    %dma_start3A_37 = tpu.memref_slice %arg2[%dma_start3A_35, %dma_start3A_36] : memref<1007616x32xf32, #tpu.memory_space<hbm>> -> memref<1007616x32xf32, #tpu.memory_space<hbm>>
    tpu.enqueue_indirect_dma source(%dma_start3A_37 : memref<1007616x32xf32, #tpu.memory_space<hbm>>) target(%dma_start3A_31 : memref<128x32xf32, #tpu.memory_space<vmem>>) offsets(%dma_start3A_34 : memref<128xi32, #tpu.memory_space<vmem>>) semaphore(%arg9 : memref<!tpu.dma_semaphore, #tpu.memory_space<semaphore_mem>>)
    %dma_start3A_38 = arith.constant 3 : i32
    %dma_start3A_39 = arith.constant 3 : i32
    %dma_start3A_40 = arith.constant 0 : i32
    %dma_start3A_41 = arith.constant 0 : i32
    %dma_start3A_42 = tpu.memref_slice %arg6[%dma_start3A_39, %dma_start3A_40, %dma_start3A_41] : memref<8x128x32xf32, #tpu.memory_space<vmem>> -> memref<1x128x32xf32, #tpu.memory_space<vmem>>
    %dma_start3A_43 = tpu.memref_squeeze %dma_start3A_42 : memref<1x128x32xf32, #tpu.memory_space<vmem>> -> memref<128x32xf32, #tpu.memory_space<vmem>>
    %dma_start3A_44 = arith.constant 0 : i32
    %dma_start3A_45 = tpu.memref_slice %arg5[%dma_start3A_38, %dma_start3A_44] : memref<200x128xi32, #tpu.memory_space<vmem>> -> memref<1x128xi32, #tpu.memory_space<vmem>>
    %dma_start3A_46 = tpu.memref_squeeze %dma_start3A_45 : memref<1x128xi32, #tpu.memory_space<vmem>> -> memref<128xi32, #tpu.memory_space<vmem>>
    %dma_start3A_47 = arith.constant 0 : i32
    %dma_start3A_48 = arith.constant 0 : i32
    %dma_start3A_49 = tpu.memref_slice %arg2[%dma_start3A_47, %dma_start3A_48] : memref<1007616x32xf32, #tpu.memory_space<hbm>> -> memref<1007616x32xf32, #tpu.memory_space<hbm>>
    tpu.enqueue_indirect_dma source(%dma_start3A_49 : memref<1007616x32xf32, #tpu.memory_space<hbm>>) target(%dma_start3A_43 : memref<128x32xf32, #tpu.memory_space<vmem>>) offsets(%dma_start3A_46 : memref<128xi32, #tpu.memory_space<vmem>>) semaphore(%arg10 : memref<!tpu.dma_semaphore, #tpu.memory_space<semaphore_mem>>)
    %scan3A = arith.constant 0 : i32
    %scan3A_50 = arith.constant 0 : i32
    %scan3A_51 = arith.constant 25 : i32
    %scan3A_52 = arith.addi %scan3A_50, %scan3A_51 : i32
    %scan3A_53 = arith.constant 1 : i32
    scf.for %scan3A_106 = %scan3A_50 to %scan3A_52 step %scan3A_53  : i32 {
      %mul3A_107 = arith.constant 8 : i32
      %mul3A_108 = arith.muli %scan3A_106, %mul3A_107 : i32
      %add3A_109 = arith.constant 0 : i32
      %add3A_110 = arith.addi %mul3A_108, %add3A_109 : i32
      %add3A_111 = arith.constant 4 : i32
      %add3A_112 = arith.addi %add3A_110, %add3A_111 : i32
      %ge3A = arith.constant 8 : i32
      %ge3A_113 = arith.cmpi sge, %add3A_112, %ge3A : i32
      %convert_element_type3A = arith.extui %ge3A_113 : i1 to i32
      %cond3A = arith.constant 0 : i32
      %cond3A_114 = arith.cmpi ne, %convert_element_type3A, %cond3A : i32
      scf.if %cond3A_114 {
        %dma_wait3A_479 = arith.constant 4 : i32
        %dma_wait3A_480 = arith.constant 0 : i32
        %dma_wait3A_481 = arith.constant 0 : i32
        %dma_wait3A_482 = tpu.memref_slice %arg6[%dma_wait3A_479, %dma_wait3A_480, %dma_wait3A_481] : memref<8x128x32xf32, #tpu.memory_space<vmem>> -> memref<1x128x32xf32, #tpu.memory_space<vmem>>
        %dma_wait3A_483 = tpu.memref_squeeze %dma_wait3A_482 : memref<1x128x32xf32, #tpu.memory_space<vmem>> -> memref<128x32xf32, #tpu.memory_space<vmem>>
        %dma_wait3A_484 = arith.constant 0 : i32
        %dma_wait3A_485 = tpu.memref_slice %arg4[%mul3A_2, %dma_wait3A_484] : memref<819200x32xf32, #tpu.memory_space<hbm>> -> memref<128x32xf32, #tpu.memory_space<hbm>>
        %dma_wait3A_486 = arith.constant 0 : i32
        %dma_wait3A_487 = tpu.memref_slice %arg4[%mul3A_2, %dma_wait3A_486] : memref<819200x32xf32, #tpu.memory_space<hbm>> -> memref<128x32xf32, #tpu.memory_space<hbm>>
        %dma_wait3A_488 = arith.constant 0 : i32
        %dma_wait3A_489 = arith.constant 0 : i32
        %dma_wait3A_490 = tpu.memref_slice %arg6[%dma_wait3A_479, %dma_wait3A_488, %dma_wait3A_489] : memref<8x128x32xf32, #tpu.memory_space<vmem>> -> memref<1x128x32xf32, #tpu.memory_space<vmem>>
        %dma_wait3A_491 = tpu.memref_squeeze %dma_wait3A_490 : memref<1x128x32xf32, #tpu.memory_space<vmem>> -> memref<128x32xf32, #tpu.memory_space<vmem>>
        tpu.wait_dma2 semaphore(%arg19 : memref<!tpu.dma_semaphore, #tpu.memory_space<semaphore_mem>>) src(%dma_wait3A_491 : memref<128x32xf32, #tpu.memory_space<vmem>>) dst(%dma_wait3A_487 : memref<128x32xf32, #tpu.memory_space<hbm>>)
      } else {
      }
      %lt3A = arith.constant 200 : i32
      %lt3A_115 = arith.cmpi slt, %add3A_112, %lt3A : i32
      %convert_element_type3A_116 = arith.extui %lt3A_115 : i1 to i32
      %cond3A_117 = arith.constant 0 : i32
      %cond3A_118 = arith.cmpi ne, %convert_element_type3A_116, %cond3A_117 : i32
      scf.if %cond3A_118 {
        %dma_start3A_479 = arith.constant 4 : i32
        %dma_start3A_480 = arith.constant 0 : i32
        %dma_start3A_481 = arith.constant 0 : i32
        %dma_start3A_482 = tpu.memref_slice %arg6[%dma_start3A_479, %dma_start3A_480, %dma_start3A_481] : memref<8x128x32xf32, #tpu.memory_space<vmem>> -> memref<1x128x32xf32, #tpu.memory_space<vmem>>
        %dma_start3A_483 = tpu.memref_squeeze %dma_start3A_482 : memref<1x128x32xf32, #tpu.memory_space<vmem>> -> memref<128x32xf32, #tpu.memory_space<vmem>>
        %dma_start3A_484 = arith.constant 0 : i32
        %dma_start3A_485 = tpu.memref_slice %arg5[%add3A_112, %dma_start3A_484] : memref<200x128xi32, #tpu.memory_space<vmem>> -> memref<1x128xi32, #tpu.memory_space<vmem>>
        %dma_start3A_486 = tpu.memref_squeeze %dma_start3A_485 : memref<1x128xi32, #tpu.memory_space<vmem>> -> memref<128xi32, #tpu.memory_space<vmem>>
        %dma_start3A_487 = arith.constant 0 : i32
        %dma_start3A_488 = arith.constant 0 : i32
        %dma_start3A_489 = tpu.memref_slice %arg2[%dma_start3A_487, %dma_start3A_488] : memref<1007616x32xf32, #tpu.memory_space<hbm>> -> memref<1007616x32xf32, #tpu.memory_space<hbm>>
        tpu.enqueue_indirect_dma source(%dma_start3A_489 : memref<1007616x32xf32, #tpu.memory_space<hbm>>) target(%dma_start3A_483 : memref<128x32xf32, #tpu.memory_space<vmem>>) offsets(%dma_start3A_486 : memref<128xi32, #tpu.memory_space<vmem>>) semaphore(%arg11 : memref<!tpu.dma_semaphore, #tpu.memory_space<semaphore_mem>>)
      } else {
      }
      %dma_wait3A_119 = arith.constant 0 : i32
      %dma_wait3A_120 = arith.constant 0 : i32
      %dma_wait3A_121 = arith.constant 0 : i32
      %dma_wait3A_122 = tpu.memref_slice %arg6[%dma_wait3A_119, %dma_wait3A_120, %dma_wait3A_121] : memref<8x128x32xf32, #tpu.memory_space<vmem>> -> memref<1x128x32xf32, #tpu.memory_space<vmem>>
      %dma_wait3A_123 = tpu.memref_squeeze %dma_wait3A_122 : memref<1x128x32xf32, #tpu.memory_space<vmem>> -> memref<128x32xf32, #tpu.memory_space<vmem>>
      %dma_wait3A_124 = arith.constant 0 : i32
      %dma_wait3A_125 = arith.constant 0 : i32
      %dma_wait3A_126 = tpu.memref_slice %arg2[%dma_wait3A_124, %dma_wait3A_125] : memref<1007616x32xf32, #tpu.memory_space<hbm>> -> memref<128x32xf32, #tpu.memory_space<hbm>>
      %dma_wait3A_127 = arith.constant 0 : i32
      %dma_wait3A_128 = arith.constant 0 : i32
      %dma_wait3A_129 = tpu.memref_slice %arg6[%dma_wait3A_119, %dma_wait3A_127, %dma_wait3A_128] : memref<8x128x32xf32, #tpu.memory_space<vmem>> -> memref<1x128x32xf32, #tpu.memory_space<vmem>>
      %dma_wait3A_130 = tpu.memref_squeeze %dma_wait3A_129 : memref<1x128x32xf32, #tpu.memory_space<vmem>> -> memref<128x32xf32, #tpu.memory_space<vmem>>
      %dma_wait3A_131 = arith.constant 0 : i32
      %dma_wait3A_132 = arith.constant 0 : i32
      %dma_wait3A_133 = tpu.memref_slice %arg2[%dma_wait3A_131, %dma_wait3A_132] : memref<1007616x32xf32, #tpu.memory_space<hbm>> -> memref<128x32xf32, #tpu.memory_space<hbm>>
      tpu.wait_dma2 semaphore(%arg7 : memref<!tpu.dma_semaphore, #tpu.memory_space<semaphore_mem>>) src(%dma_wait3A_133 : memref<128x32xf32, #tpu.memory_space<hbm>>) dst(%dma_wait3A_130 : memref<128x32xf32, #tpu.memory_space<vmem>>)
      %mul3A_134 = arith.constant 128 : i32
      %mul3A_135 = arith.muli %add3A_110, %mul3A_134 : i32
      %add3A_136 = arith.addi %mul3A_2, %mul3A_135 : i32
      %dma_start3A_137 = arith.constant 0 : i32
      %dma_start3A_138 = arith.constant 0 : i32
      %dma_start3A_139 = arith.constant 0 : i32
      %dma_start3A_140 = tpu.memref_slice %arg6[%dma_start3A_137, %dma_start3A_138, %dma_start3A_139] : memref<8x128x32xf32, #tpu.memory_space<vmem>> -> memref<1x128x32xf32, #tpu.memory_space<vmem>>
      %dma_start3A_141 = tpu.memref_squeeze %dma_start3A_140 : memref<1x128x32xf32, #tpu.memory_space<vmem>> -> memref<128x32xf32, #tpu.memory_space<vmem>>
      %dma_start3A_142 = arith.constant 0 : i32
      %dma_start3A_143 = tpu.memref_slice %arg4[%add3A_136, %dma_start3A_142] : memref<819200x32xf32, #tpu.memory_space<hbm>> -> memref<128x32xf32, #tpu.memory_space<hbm>>
      %dma_start3A_144 = arith.constant 0 : i32
      %dma_start3A_145 = tpu.memref_slice %arg4[%add3A_136, %dma_start3A_144] : memref<819200x32xf32, #tpu.memory_space<hbm>> -> memref<128x32xf32, #tpu.memory_space<hbm>>
      %dma_start3A_146 = arith.constant 0 : i32
      %dma_start3A_147 = arith.constant 0 : i32
      %dma_start3A_148 = tpu.memref_slice %arg6[%dma_start3A_137, %dma_start3A_146, %dma_start3A_147] : memref<8x128x32xf32, #tpu.memory_space<vmem>> -> memref<1x128x32xf32, #tpu.memory_space<vmem>>
      %dma_start3A_149 = tpu.memref_squeeze %dma_start3A_148 : memref<1x128x32xf32, #tpu.memory_space<vmem>> -> memref<128x32xf32, #tpu.memory_space<vmem>>
      tpu.enqueue_dma source(%dma_start3A_149 : memref<128x32xf32, #tpu.memory_space<vmem>>) target(%dma_start3A_145 : memref<128x32xf32, #tpu.memory_space<hbm>>) target_semaphore(%arg15 : memref<!tpu.dma_semaphore, #tpu.memory_space<semaphore_mem>>)
      %mul3A_150 = arith.constant 8 : i32
      %mul3A_151 = arith.muli %scan3A_106, %mul3A_150 : i32
      %add3A_152 = arith.constant 1 : i32
      %add3A_153 = arith.addi %mul3A_151, %add3A_152 : i32
      %add3A_154 = arith.constant 4 : i32
      %add3A_155 = arith.addi %add3A_153, %add3A_154 : i32
      %ge3A_156 = arith.constant 8 : i32
      %ge3A_157 = arith.cmpi sge, %add3A_155, %ge3A_156 : i32
      %convert_element_type3A_158 = arith.extui %ge3A_157 : i1 to i32
      %cond3A_159 = arith.constant 0 : i32
      %cond3A_160 = arith.cmpi ne, %convert_element_type3A_158, %cond3A_159 : i32
      scf.if %cond3A_160 {
        %dma_wait3A_479 = arith.constant 5 : i32
        %dma_wait3A_480 = arith.constant 0 : i32
        %dma_wait3A_481 = arith.constant 0 : i32
        %dma_wait3A_482 = tpu.memref_slice %arg6[%dma_wait3A_479, %dma_wait3A_480, %dma_wait3A_481] : memref<8x128x32xf32, #tpu.memory_space<vmem>> -> memref<1x128x32xf32, #tpu.memory_space<vmem>>
        %dma_wait3A_483 = tpu.memref_squeeze %dma_wait3A_482 : memref<1x128x32xf32, #tpu.memory_space<vmem>> -> memref<128x32xf32, #tpu.memory_space<vmem>>
        %dma_wait3A_484 = arith.constant 0 : i32
        %dma_wait3A_485 = tpu.memref_slice %arg4[%mul3A_2, %dma_wait3A_484] : memref<819200x32xf32, #tpu.memory_space<hbm>> -> memref<128x32xf32, #tpu.memory_space<hbm>>
        %dma_wait3A_486 = arith.constant 0 : i32
        %dma_wait3A_487 = tpu.memref_slice %arg4[%mul3A_2, %dma_wait3A_486] : memref<819200x32xf32, #tpu.memory_space<hbm>> -> memref<128x32xf32, #tpu.memory_space<hbm>>
        %dma_wait3A_488 = arith.constant 0 : i32
        %dma_wait3A_489 = arith.constant 0 : i32
        %dma_wait3A_490 = tpu.memref_slice %arg6[%dma_wait3A_479, %dma_wait3A_488, %dma_wait3A_489] : memref<8x128x32xf32, #tpu.memory_space<vmem>> -> memref<1x128x32xf32, #tpu.memory_space<vmem>>
        %dma_wait3A_491 = tpu.memref_squeeze %dma_wait3A_490 : memref<1x128x32xf32, #tpu.memory_space<vmem>> -> memref<128x32xf32, #tpu.memory_space<vmem>>
        tpu.wait_dma2 semaphore(%arg20 : memref<!tpu.dma_semaphore, #tpu.memory_space<semaphore_mem>>) src(%dma_wait3A_491 : memref<128x32xf32, #tpu.memory_space<vmem>>) dst(%dma_wait3A_487 : memref<128x32xf32, #tpu.memory_space<hbm>>)
      } else {
      }
      %lt3A_161 = arith.constant 200 : i32
      %lt3A_162 = arith.cmpi slt, %add3A_155, %lt3A_161 : i32
      %convert_element_type3A_163 = arith.extui %lt3A_162 : i1 to i32
      %cond3A_164 = arith.constant 0 : i32
      %cond3A_165 = arith.cmpi ne, %convert_element_type3A_163, %cond3A_164 : i32
      scf.if %cond3A_165 {
        %dma_start3A_479 = arith.constant 5 : i32
        %dma_start3A_480 = arith.constant 0 : i32
        %dma_start3A_481 = arith.constant 0 : i32
        %dma_start3A_482 = tpu.memref_slice %arg6[%dma_start3A_479, %dma_start3A_480, %dma_start3A_481] : memref<8x128x32xf32, #tpu.memory_space<vmem>> -> memref<1x128x32xf32, #tpu.memory_space<vmem>>
        %dma_start3A_483 = tpu.memref_squeeze %dma_start3A_482 : memref<1x128x32xf32, #tpu.memory_space<vmem>> -> memref<128x32xf32, #tpu.memory_space<vmem>>
        %dma_start3A_484 = arith.constant 0 : i32
        %dma_start3A_485 = tpu.memref_slice %arg5[%add3A_155, %dma_start3A_484] : memref<200x128xi32, #tpu.memory_space<vmem>> -> memref<1x128xi32, #tpu.memory_space<vmem>>
        %dma_start3A_486 = tpu.memref_squeeze %dma_start3A_485 : memref<1x128xi32, #tpu.memory_space<vmem>> -> memref<128xi32, #tpu.memory_space<vmem>>
        %dma_start3A_487 = arith.constant 0 : i32
        %dma_start3A_488 = arith.constant 0 : i32
        %dma_start3A_489 = tpu.memref_slice %arg2[%dma_start3A_487, %dma_start3A_488] : memref<1007616x32xf32, #tpu.memory_space<hbm>> -> memref<1007616x32xf32, #tpu.memory_space<hbm>>
        tpu.enqueue_indirect_dma source(%dma_start3A_489 : memref<1007616x32xf32, #tpu.memory_space<hbm>>) target(%dma_start3A_483 : memref<128x32xf32, #tpu.memory_space<vmem>>) offsets(%dma_start3A_486 : memref<128xi32, #tpu.memory_space<vmem>>) semaphore(%arg12 : memref<!tpu.dma_semaphore, #tpu.memory_space<semaphore_mem>>)
      } else {
      }
      %dma_wait3A_166 = arith.constant 1 : i32
      %dma_wait3A_167 = arith.constant 0 : i32
      %dma_wait3A_168 = arith.constant 0 : i32
      %dma_wait3A_169 = tpu.memref_slice %arg6[%dma_wait3A_166, %dma_wait3A_167, %dma_wait3A_168] : memref<8x128x32xf32, #tpu.memory_space<vmem>> -> memref<1x128x32xf32, #tpu.memory_space<vmem>>
      %dma_wait3A_170 = tpu.memref_squeeze %dma_wait3A_169 : memref<1x128x32xf32, #tpu.memory_space<vmem>> -> memref<128x32xf32, #tpu.memory_space<vmem>>
      %dma_wait3A_171 = arith.constant 0 : i32
      %dma_wait3A_172 = arith.constant 0 : i32
      %dma_wait3A_173 = tpu.memref_slice %arg2[%dma_wait3A_171, %dma_wait3A_172] : memref<1007616x32xf32, #tpu.memory_space<hbm>> -> memref<128x32xf32, #tpu.memory_space<hbm>>
      %dma_wait3A_174 = arith.constant 0 : i32
      %dma_wait3A_175 = arith.constant 0 : i32
      %dma_wait3A_176 = tpu.memref_slice %arg6[%dma_wait3A_166, %dma_wait3A_174, %dma_wait3A_175] : memref<8x128x32xf32, #tpu.memory_space<vmem>> -> memref<1x128x32xf32, #tpu.memory_space<vmem>>
      %dma_wait3A_177 = tpu.memref_squeeze %dma_wait3A_176 : memref<1x128x32xf32, #tpu.memory_space<vmem>> -> memref<128x32xf32, #tpu.memory_space<vmem>>
      %dma_wait3A_178 = arith.constant 0 : i32
      %dma_wait3A_179 = arith.constant 0 : i32
      %dma_wait3A_180 = tpu.memref_slice %arg2[%dma_wait3A_178, %dma_wait3A_179] : memref<1007616x32xf32, #tpu.memory_space<hbm>> -> memref<128x32xf32, #tpu.memory_space<hbm>>
      tpu.wait_dma2 semaphore(%arg8 : memref<!tpu.dma_semaphore, #tpu.memory_space<semaphore_mem>>) src(%dma_wait3A_180 : memref<128x32xf32, #tpu.memory_space<hbm>>) dst(%dma_wait3A_177 : memref<128x32xf32, #tpu.memory_space<vmem>>)
      %mul3A_181 = arith.constant 128 : i32
      %mul3A_182 = arith.muli %add3A_153, %mul3A_181 : i32
      %add3A_183 = arith.addi %mul3A_2, %mul3A_182 : i32
      %dma_start3A_184 = arith.constant 1 : i32
      %dma_start3A_185 = arith.constant 0 : i32
      %dma_start3A_186 = arith.constant 0 : i32
      %dma_start3A_187 = tpu.memref_slice %arg6[%dma_start3A_184, %dma_start3A_185, %dma_start3A_186] : memref<8x128x32xf32, #tpu.memory_space<vmem>> -> memref<1x128x32xf32, #tpu.memory_space<vmem>>
      %dma_start3A_188 = tpu.memref_squeeze %dma_start3A_187 : memref<1x128x32xf32, #tpu.memory_space<vmem>> -> memref<128x32xf32, #tpu.memory_space<vmem>>
      %dma_start3A_189 = arith.constant 0 : i32
      %dma_start3A_190 = tpu.memref_slice %arg4[%add3A_183, %dma_start3A_189] : memref<819200x32xf32, #tpu.memory_space<hbm>> -> memref<128x32xf32, #tpu.memory_space<hbm>>
      %dma_start3A_191 = arith.constant 0 : i32
      %dma_start3A_192 = tpu.memref_slice %arg4[%add3A_183, %dma_start3A_191] : memref<819200x32xf32, #tpu.memory_space<hbm>> -> memref<128x32xf32, #tpu.memory_space<hbm>>
      %dma_start3A_193 = arith.constant 0 : i32
      %dma_start3A_194 = arith.constant 0 : i32
      %dma_start3A_195 = tpu.memref_slice %arg6[%dma_start3A_184, %dma_start3A_193, %dma_start3A_194] : memref<8x128x32xf32, #tpu.memory_space<vmem>> -> memref<1x128x32xf32, #tpu.memory_space<vmem>>
      %dma_start3A_196 = tpu.memref_squeeze %dma_start3A_195 : memref<1x128x32xf32, #tpu.memory_space<vmem>> -> memref<128x32xf32, #tpu.memory_space<vmem>>
      tpu.enqueue_dma source(%dma_start3A_196 : memref<128x32xf32, #tpu.memory_space<vmem>>) target(%dma_start3A_192 : memref<128x32xf32, #tpu.memory_space<hbm>>) target_semaphore(%arg16 : memref<!tpu.dma_semaphore, #tpu.memory_space<semaphore_mem>>)
      %mul3A_197 = arith.constant 8 : i32
      %mul3A_198 = arith.muli %scan3A_106, %mul3A_197 : i32
      %add3A_199 = arith.constant 2 : i32
      %add3A_200 = arith.addi %mul3A_198, %add3A_199 : i32
      %add3A_201 = arith.constant 4 : i32
      %add3A_202 = arith.addi %add3A_200, %add3A_201 : i32
      %ge3A_203 = arith.constant 8 : i32
      %ge3A_204 = arith.cmpi sge, %add3A_202, %ge3A_203 : i32
      %convert_element_type3A_205 = arith.extui %ge3A_204 : i1 to i32
      %cond3A_206 = arith.constant 0 : i32
      %cond3A_207 = arith.cmpi ne, %convert_element_type3A_205, %cond3A_206 : i32
      scf.if %cond3A_207 {
        %dma_wait3A_479 = arith.constant 6 : i32
        %dma_wait3A_480 = arith.constant 0 : i32
        %dma_wait3A_481 = arith.constant 0 : i32
        %dma_wait3A_482 = tpu.memref_slice %arg6[%dma_wait3A_479, %dma_wait3A_480, %dma_wait3A_481] : memref<8x128x32xf32, #tpu.memory_space<vmem>> -> memref<1x128x32xf32, #tpu.memory_space<vmem>>
        %dma_wait3A_483 = tpu.memref_squeeze %dma_wait3A_482 : memref<1x128x32xf32, #tpu.memory_space<vmem>> -> memref<128x32xf32, #tpu.memory_space<vmem>>
        %dma_wait3A_484 = arith.constant 0 : i32
        %dma_wait3A_485 = tpu.memref_slice %arg4[%mul3A_2, %dma_wait3A_484] : memref<819200x32xf32, #tpu.memory_space<hbm>> -> memref<128x32xf32, #tpu.memory_space<hbm>>
        %dma_wait3A_486 = arith.constant 0 : i32
        %dma_wait3A_487 = tpu.memref_slice %arg4[%mul3A_2, %dma_wait3A_486] : memref<819200x32xf32, #tpu.memory_space<hbm>> -> memref<128x32xf32, #tpu.memory_space<hbm>>
        %dma_wait3A_488 = arith.constant 0 : i32
        %dma_wait3A_489 = arith.constant 0 : i32
        %dma_wait3A_490 = tpu.memref_slice %arg6[%dma_wait3A_479, %dma_wait3A_488, %dma_wait3A_489] : memref<8x128x32xf32, #tpu.memory_space<vmem>> -> memref<1x128x32xf32, #tpu.memory_space<vmem>>
        %dma_wait3A_491 = tpu.memref_squeeze %dma_wait3A_490 : memref<1x128x32xf32, #tpu.memory_space<vmem>> -> memref<128x32xf32, #tpu.memory_space<vmem>>
        tpu.wait_dma2 semaphore(%arg21 : memref<!tpu.dma_semaphore, #tpu.memory_space<semaphore_mem>>) src(%dma_wait3A_491 : memref<128x32xf32, #tpu.memory_space<vmem>>) dst(%dma_wait3A_487 : memref<128x32xf32, #tpu.memory_space<hbm>>)
      } else {
      }
      %lt3A_208 = arith.constant 200 : i32
      %lt3A_209 = arith.cmpi slt, %add3A_202, %lt3A_208 : i32
      %convert_element_type3A_210 = arith.extui %lt3A_209 : i1 to i32
      %cond3A_211 = arith.constant 0 : i32
      %cond3A_212 = arith.cmpi ne, %convert_element_type3A_210, %cond3A_211 : i32
      scf.if %cond3A_212 {
        %dma_start3A_479 = arith.constant 6 : i32
        %dma_start3A_480 = arith.constant 0 : i32
        %dma_start3A_481 = arith.constant 0 : i32
        %dma_start3A_482 = tpu.memref_slice %arg6[%dma_start3A_479, %dma_start3A_480, %dma_start3A_481] : memref<8x128x32xf32, #tpu.memory_space<vmem>> -> memref<1x128x32xf32, #tpu.memory_space<vmem>>
        %dma_start3A_483 = tpu.memref_squeeze %dma_start3A_482 : memref<1x128x32xf32, #tpu.memory_space<vmem>> -> memref<128x32xf32, #tpu.memory_space<vmem>>
        %dma_start3A_484 = arith.constant 0 : i32
        %dma_start3A_485 = tpu.memref_slice %arg5[%add3A_202, %dma_start3A_484] : memref<200x128xi32, #tpu.memory_space<vmem>> -> memref<1x128xi32, #tpu.memory_space<vmem>>
        %dma_start3A_486 = tpu.memref_squeeze %dma_start3A_485 : memref<1x128xi32, #tpu.memory_space<vmem>> -> memref<128xi32, #tpu.memory_space<vmem>>
        %dma_start3A_487 = arith.constant 0 : i32
        %dma_start3A_488 = arith.constant 0 : i32
        %dma_start3A_489 = tpu.memref_slice %arg2[%dma_start3A_487, %dma_start3A_488] : memref<1007616x32xf32, #tpu.memory_space<hbm>> -> memref<1007616x32xf32, #tpu.memory_space<hbm>>
        tpu.enqueue_indirect_dma source(%dma_start3A_489 : memref<1007616x32xf32, #tpu.memory_space<hbm>>) target(%dma_start3A_483 : memref<128x32xf32, #tpu.memory_space<vmem>>) offsets(%dma_start3A_486 : memref<128xi32, #tpu.memory_space<vmem>>) semaphore(%arg13 : memref<!tpu.dma_semaphore, #tpu.memory_space<semaphore_mem>>)
      } else {
      }
      %dma_wait3A_213 = arith.constant 2 : i32
      %dma_wait3A_214 = arith.constant 0 : i32
      %dma_wait3A_215 = arith.constant 0 : i32
      %dma_wait3A_216 = tpu.memref_slice %arg6[%dma_wait3A_213, %dma_wait3A_214, %dma_wait3A_215] : memref<8x128x32xf32, #tpu.memory_space<vmem>> -> memref<1x128x32xf32, #tpu.memory_space<vmem>>
      %dma_wait3A_217 = tpu.memref_squeeze %dma_wait3A_216 : memref<1x128x32xf32, #tpu.memory_space<vmem>> -> memref<128x32xf32, #tpu.memory_space<vmem>>
      %dma_wait3A_218 = arith.constant 0 : i32
      %dma_wait3A_219 = arith.constant 0 : i32
      %dma_wait3A_220 = tpu.memref_slice %arg2[%dma_wait3A_218, %dma_wait3A_219] : memref<1007616x32xf32, #tpu.memory_space<hbm>> -> memref<128x32xf32, #tpu.memory_space<hbm>>
      %dma_wait3A_221 = arith.constant 0 : i32
      %dma_wait3A_222 = arith.constant 0 : i32
      %dma_wait3A_223 = tpu.memref_slice %arg6[%dma_wait3A_213, %dma_wait3A_221, %dma_wait3A_222] : memref<8x128x32xf32, #tpu.memory_space<vmem>> -> memref<1x128x32xf32, #tpu.memory_space<vmem>>
      %dma_wait3A_224 = tpu.memref_squeeze %dma_wait3A_223 : memref<1x128x32xf32, #tpu.memory_space<vmem>> -> memref<128x32xf32, #tpu.memory_space<vmem>>
      %dma_wait3A_225 = arith.constant 0 : i32
      %dma_wait3A_226 = arith.constant 0 : i32
      %dma_wait3A_227 = tpu.memref_slice %arg2[%dma_wait3A_225, %dma_wait3A_226] : memref<1007616x32xf32, #tpu.memory_space<hbm>> -> memref<128x32xf32, #tpu.memory_space<hbm>>
      tpu.wait_dma2 semaphore(%arg9 : memref<!tpu.dma_semaphore, #tpu.memory_space<semaphore_mem>>) src(%dma_wait3A_227 : memref<128x32xf32, #tpu.memory_space<hbm>>) dst(%dma_wait3A_224 : memref<128x32xf32, #tpu.memory_space<vmem>>)
      %mul3A_228 = arith.constant 128 : i32
      %mul3A_229 = arith.muli %add3A_200, %mul3A_228 : i32
      %add3A_230 = arith.addi %mul3A_2, %mul3A_229 : i32
      %dma_start3A_231 = arith.constant 2 : i32
      %dma_start3A_232 = arith.constant 0 : i32
      %dma_start3A_233 = arith.constant 0 : i32
      %dma_start3A_234 = tpu.memref_slice %arg6[%dma_start3A_231, %dma_start3A_232, %dma_start3A_233] : memref<8x128x32xf32, #tpu.memory_space<vmem>> -> memref<1x128x32xf32, #tpu.memory_space<vmem>>
      %dma_start3A_235 = tpu.memref_squeeze %dma_start3A_234 : memref<1x128x32xf32, #tpu.memory_space<vmem>> -> memref<128x32xf32, #tpu.memory_space<vmem>>
      %dma_start3A_236 = arith.constant 0 : i32
      %dma_start3A_237 = tpu.memref_slice %arg4[%add3A_230, %dma_start3A_236] : memref<819200x32xf32, #tpu.memory_space<hbm>> -> memref<128x32xf32, #tpu.memory_space<hbm>>
      %dma_start3A_238 = arith.constant 0 : i32
      %dma_start3A_239 = tpu.memref_slice %arg4[%add3A_230, %dma_start3A_238] : memref<819200x32xf32, #tpu.memory_space<hbm>> -> memref<128x32xf32, #tpu.memory_space<hbm>>
      %dma_start3A_240 = arith.constant 0 : i32
      %dma_start3A_241 = arith.constant 0 : i32
      %dma_start3A_242 = tpu.memref_slice %arg6[%dma_start3A_231, %dma_start3A_240, %dma_start3A_241] : memref<8x128x32xf32, #tpu.memory_space<vmem>> -> memref<1x128x32xf32, #tpu.memory_space<vmem>>
      %dma_start3A_243 = tpu.memref_squeeze %dma_start3A_242 : memref<1x128x32xf32, #tpu.memory_space<vmem>> -> memref<128x32xf32, #tpu.memory_space<vmem>>
      tpu.enqueue_dma source(%dma_start3A_243 : memref<128x32xf32, #tpu.memory_space<vmem>>) target(%dma_start3A_239 : memref<128x32xf32, #tpu.memory_space<hbm>>) target_semaphore(%arg17 : memref<!tpu.dma_semaphore, #tpu.memory_space<semaphore_mem>>)
      %mul3A_244 = arith.constant 8 : i32
      %mul3A_245 = arith.muli %scan3A_106, %mul3A_244 : i32
      %add3A_246 = arith.constant 3 : i32
      %add3A_247 = arith.addi %mul3A_245, %add3A_246 : i32
      %add3A_248 = arith.constant 4 : i32
      %add3A_249 = arith.addi %add3A_247, %add3A_248 : i32
      %ge3A_250 = arith.constant 8 : i32
      %ge3A_251 = arith.cmpi sge, %add3A_249, %ge3A_250 : i32
      %convert_element_type3A_252 = arith.extui %ge3A_251 : i1 to i32
      %cond3A_253 = arith.constant 0 : i32
      %cond3A_254 = arith.cmpi ne, %convert_element_type3A_252, %cond3A_253 : i32
      scf.if %cond3A_254 {
        %dma_wait3A_479 = arith.constant 7 : i32
        %dma_wait3A_480 = arith.constant 0 : i32
        %dma_wait3A_481 = arith.constant 0 : i32
        %dma_wait3A_482 = tpu.memref_slice %arg6[%dma_wait3A_479, %dma_wait3A_480, %dma_wait3A_481] : memref<8x128x32xf32, #tpu.memory_space<vmem>> -> memref<1x128x32xf32, #tpu.memory_space<vmem>>
        %dma_wait3A_483 = tpu.memref_squeeze %dma_wait3A_482 : memref<1x128x32xf32, #tpu.memory_space<vmem>> -> memref<128x32xf32, #tpu.memory_space<vmem>>
        %dma_wait3A_484 = arith.constant 0 : i32
        %dma_wait3A_485 = tpu.memref_slice %arg4[%mul3A_2, %dma_wait3A_484] : memref<819200x32xf32, #tpu.memory_space<hbm>> -> memref<128x32xf32, #tpu.memory_space<hbm>>
        %dma_wait3A_486 = arith.constant 0 : i32
        %dma_wait3A_487 = tpu.memref_slice %arg4[%mul3A_2, %dma_wait3A_486] : memref<819200x32xf32, #tpu.memory_space<hbm>> -> memref<128x32xf32, #tpu.memory_space<hbm>>
        %dma_wait3A_488 = arith.constant 0 : i32
        %dma_wait3A_489 = arith.constant 0 : i32
        %dma_wait3A_490 = tpu.memref_slice %arg6[%dma_wait3A_479, %dma_wait3A_488, %dma_wait3A_489] : memref<8x128x32xf32, #tpu.memory_space<vmem>> -> memref<1x128x32xf32, #tpu.memory_space<vmem>>
        %dma_wait3A_491 = tpu.memref_squeeze %dma_wait3A_490 : memref<1x128x32xf32, #tpu.memory_space<vmem>> -> memref<128x32xf32, #tpu.memory_space<vmem>>
        tpu.wait_dma2 semaphore(%arg22 : memref<!tpu.dma_semaphore, #tpu.memory_space<semaphore_mem>>) src(%dma_wait3A_491 : memref<128x32xf32, #tpu.memory_space<vmem>>) dst(%dma_wait3A_487 : memref<128x32xf32, #tpu.memory_space<hbm>>)
      } else {
      }
      %lt3A_255 = arith.constant 200 : i32
      %lt3A_256 = arith.cmpi slt, %add3A_249, %lt3A_255 : i32
      %convert_element_type3A_257 = arith.extui %lt3A_256 : i1 to i32
      %cond3A_258 = arith.constant 0 : i32
      %cond3A_259 = arith.cmpi ne, %convert_element_type3A_257, %cond3A_258 : i32
      scf.if %cond3A_259 {
        %dma_start3A_479 = arith.constant 7 : i32
        %dma_start3A_480 = arith.constant 0 : i32
        %dma_start3A_481 = arith.constant 0 : i32
        %dma_start3A_482 = tpu.memref_slice %arg6[%dma_start3A_479, %dma_start3A_480, %dma_start3A_481] : memref<8x128x32xf32, #tpu.memory_space<vmem>> -> memref<1x128x32xf32, #tpu.memory_space<vmem>>
        %dma_start3A_483 = tpu.memref_squeeze %dma_start3A_482 : memref<1x128x32xf32, #tpu.memory_space<vmem>> -> memref<128x32xf32, #tpu.memory_space<vmem>>
        %dma_start3A_484 = arith.constant 0 : i32
        %dma_start3A_485 = tpu.memref_slice %arg5[%add3A_249, %dma_start3A_484] : memref<200x128xi32, #tpu.memory_space<vmem>> -> memref<1x128xi32, #tpu.memory_space<vmem>>
        %dma_start3A_486 = tpu.memref_squeeze %dma_start3A_485 : memref<1x128xi32, #tpu.memory_space<vmem>> -> memref<128xi32, #tpu.memory_space<vmem>>
        %dma_start3A_487 = arith.constant 0 : i32
        %dma_start3A_488 = arith.constant 0 : i32
        %dma_start3A_489 = tpu.memref_slice %arg2[%dma_start3A_487, %dma_start3A_488] : memref<1007616x32xf32, #tpu.memory_space<hbm>> -> memref<1007616x32xf32, #tpu.memory_space<hbm>>
        tpu.enqueue_indirect_dma source(%dma_start3A_489 : memref<1007616x32xf32, #tpu.memory_space<hbm>>) target(%dma_start3A_483 : memref<128x32xf32, #tpu.memory_space<vmem>>) offsets(%dma_start3A_486 : memref<128xi32, #tpu.memory_space<vmem>>) semaphore(%arg14 : memref<!tpu.dma_semaphore, #tpu.memory_space<semaphore_mem>>)
      } else {
      }
      %dma_wait3A_260 = arith.constant 3 : i32
      %dma_wait3A_261 = arith.constant 0 : i32
      %dma_wait3A_262 = arith.constant 0 : i32
      %dma_wait3A_263 = tpu.memref_slice %arg6[%dma_wait3A_260, %dma_wait3A_261, %dma_wait3A_262] : memref<8x128x32xf32, #tpu.memory_space<vmem>> -> memref<1x128x32xf32, #tpu.memory_space<vmem>>
      %dma_wait3A_264 = tpu.memref_squeeze %dma_wait3A_263 : memref<1x128x32xf32, #tpu.memory_space<vmem>> -> memref<128x32xf32, #tpu.memory_space<vmem>>
      %dma_wait3A_265 = arith.constant 0 : i32
      %dma_wait3A_266 = arith.constant 0 : i32
      %dma_wait3A_267 = tpu.memref_slice %arg2[%dma_wait3A_265, %dma_wait3A_266] : memref<1007616x32xf32, #tpu.memory_space<hbm>> -> memref<128x32xf32, #tpu.memory_space<hbm>>
      %dma_wait3A_268 = arith.constant 0 : i32
      %dma_wait3A_269 = arith.constant 0 : i32
      %dma_wait3A_270 = tpu.memref_slice %arg6[%dma_wait3A_260, %dma_wait3A_268, %dma_wait3A_269] : memref<8x128x32xf32, #tpu.memory_space<vmem>> -> memref<1x128x32xf32, #tpu.memory_space<vmem>>
      %dma_wait3A_271 = tpu.memref_squeeze %dma_wait3A_270 : memref<1x128x32xf32, #tpu.memory_space<vmem>> -> memref<128x32xf32, #tpu.memory_space<vmem>>
      %dma_wait3A_272 = arith.constant 0 : i32
      %dma_wait3A_273 = arith.constant 0 : i32
      %dma_wait3A_274 = tpu.memref_slice %arg2[%dma_wait3A_272, %dma_wait3A_273] : memref<1007616x32xf32, #tpu.memory_space<hbm>> -> memref<128x32xf32, #tpu.memory_space<hbm>>
      tpu.wait_dma2 semaphore(%arg10 : memref<!tpu.dma_semaphore, #tpu.memory_space<semaphore_mem>>) src(%dma_wait3A_274 : memref<128x32xf32, #tpu.memory_space<hbm>>) dst(%dma_wait3A_271 : memref<128x32xf32, #tpu.memory_space<vmem>>)
      %mul3A_275 = arith.constant 128 : i32
      %mul3A_276 = arith.muli %add3A_247, %mul3A_275 : i32
      %add3A_277 = arith.addi %mul3A_2, %mul3A_276 : i32
      %dma_start3A_278 = arith.constant 3 : i32
      %dma_start3A_279 = arith.constant 0 : i32
      %dma_start3A_280 = arith.constant 0 : i32
      %dma_start3A_281 = tpu.memref_slice %arg6[%dma_start3A_278, %dma_start3A_279, %dma_start3A_280] : memref<8x128x32xf32, #tpu.memory_space<vmem>> -> memref<1x128x32xf32, #tpu.memory_space<vmem>>
      %dma_start3A_282 = tpu.memref_squeeze %dma_start3A_281 : memref<1x128x32xf32, #tpu.memory_space<vmem>> -> memref<128x32xf32, #tpu.memory_space<vmem>>
      %dma_start3A_283 = arith.constant 0 : i32
      %dma_start3A_284 = tpu.memref_slice %arg4[%add3A_277, %dma_start3A_283] : memref<819200x32xf32, #tpu.memory_space<hbm>> -> memref<128x32xf32, #tpu.memory_space<hbm>>
      %dma_start3A_285 = arith.constant 0 : i32
      %dma_start3A_286 = tpu.memref_slice %arg4[%add3A_277, %dma_start3A_285] : memref<819200x32xf32, #tpu.memory_space<hbm>> -> memref<128x32xf32, #tpu.memory_space<hbm>>
      %dma_start3A_287 = arith.constant 0 : i32
      %dma_start3A_288 = arith.constant 0 : i32
      %dma_start3A_289 = tpu.memref_slice %arg6[%dma_start3A_278, %dma_start3A_287, %dma_start3A_288] : memref<8x128x32xf32, #tpu.memory_space<vmem>> -> memref<1x128x32xf32, #tpu.memory_space<vmem>>
      %dma_start3A_290 = tpu.memref_squeeze %dma_start3A_289 : memref<1x128x32xf32, #tpu.memory_space<vmem>> -> memref<128x32xf32, #tpu.memory_space<vmem>>
      tpu.enqueue_dma source(%dma_start3A_290 : memref<128x32xf32, #tpu.memory_space<vmem>>) target(%dma_start3A_286 : memref<128x32xf32, #tpu.memory_space<hbm>>) target_semaphore(%arg18 : memref<!tpu.dma_semaphore, #tpu.memory_space<semaphore_mem>>)
      %mul3A_291 = arith.constant 8 : i32
      %mul3A_292 = arith.muli %scan3A_106, %mul3A_291 : i32
      %add3A_293 = arith.constant 4 : i32
      %add3A_294 = arith.addi %mul3A_292, %add3A_293 : i32
      %add3A_295 = arith.constant 4 : i32
      %add3A_296 = arith.addi %add3A_294, %add3A_295 : i32
      %ge3A_297 = arith.constant 8 : i32
      %ge3A_298 = arith.cmpi sge, %add3A_296, %ge3A_297 : i32
      %convert_element_type3A_299 = arith.extui %ge3A_298 : i1 to i32
      %cond3A_300 = arith.constant 0 : i32
      %cond3A_301 = arith.cmpi ne, %convert_element_type3A_299, %cond3A_300 : i32
      scf.if %cond3A_301 {
        %dma_wait3A_479 = arith.constant 0 : i32
        %dma_wait3A_480 = arith.constant 0 : i32
        %dma_wait3A_481 = arith.constant 0 : i32
        %dma_wait3A_482 = tpu.memref_slice %arg6[%dma_wait3A_479, %dma_wait3A_480, %dma_wait3A_481] : memref<8x128x32xf32, #tpu.memory_space<vmem>> -> memref<1x128x32xf32, #tpu.memory_space<vmem>>
        %dma_wait3A_483 = tpu.memref_squeeze %dma_wait3A_482 : memref<1x128x32xf32, #tpu.memory_space<vmem>> -> memref<128x32xf32, #tpu.memory_space<vmem>>
        %dma_wait3A_484 = arith.constant 0 : i32
        %dma_wait3A_485 = tpu.memref_slice %arg4[%mul3A_2, %dma_wait3A_484] : memref<819200x32xf32, #tpu.memory_space<hbm>> -> memref<128x32xf32, #tpu.memory_space<hbm>>
        %dma_wait3A_486 = arith.constant 0 : i32
        %dma_wait3A_487 = tpu.memref_slice %arg4[%mul3A_2, %dma_wait3A_486] : memref<819200x32xf32, #tpu.memory_space<hbm>> -> memref<128x32xf32, #tpu.memory_space<hbm>>
        %dma_wait3A_488 = arith.constant 0 : i32
        %dma_wait3A_489 = arith.constant 0 : i32
        %dma_wait3A_490 = tpu.memref_slice %arg6[%dma_wait3A_479, %dma_wait3A_488, %dma_wait3A_489] : memref<8x128x32xf32, #tpu.memory_space<vmem>> -> memref<1x128x32xf32, #tpu.memory_space<vmem>>
        %dma_wait3A_491 = tpu.memref_squeeze %dma_wait3A_490 : memref<1x128x32xf32, #tpu.memory_space<vmem>> -> memref<128x32xf32, #tpu.memory_space<vmem>>
        tpu.wait_dma2 semaphore(%arg15 : memref<!tpu.dma_semaphore, #tpu.memory_space<semaphore_mem>>) src(%dma_wait3A_491 : memref<128x32xf32, #tpu.memory_space<vmem>>) dst(%dma_wait3A_487 : memref<128x32xf32, #tpu.memory_space<hbm>>)
      } else {
      }
      %lt3A_302 = arith.constant 200 : i32
      %lt3A_303 = arith.cmpi slt, %add3A_296, %lt3A_302 : i32
      %convert_element_type3A_304 = arith.extui %lt3A_303 : i1 to i32
      %cond3A_305 = arith.constant 0 : i32
      %cond3A_306 = arith.cmpi ne, %convert_element_type3A_304, %cond3A_305 : i32
      scf.if %cond3A_306 {
        %dma_start3A_479 = arith.constant 0 : i32
        %dma_start3A_480 = arith.constant 0 : i32
        %dma_start3A_481 = arith.constant 0 : i32
        %dma_start3A_482 = tpu.memref_slice %arg6[%dma_start3A_479, %dma_start3A_480, %dma_start3A_481] : memref<8x128x32xf32, #tpu.memory_space<vmem>> -> memref<1x128x32xf32, #tpu.memory_space<vmem>>
        %dma_start3A_483 = tpu.memref_squeeze %dma_start3A_482 : memref<1x128x32xf32, #tpu.memory_space<vmem>> -> memref<128x32xf32, #tpu.memory_space<vmem>>
        %dma_start3A_484 = arith.constant 0 : i32
        %dma_start3A_485 = tpu.memref_slice %arg5[%add3A_296, %dma_start3A_484] : memref<200x128xi32, #tpu.memory_space<vmem>> -> memref<1x128xi32, #tpu.memory_space<vmem>>
        %dma_start3A_486 = tpu.memref_squeeze %dma_start3A_485 : memref<1x128xi32, #tpu.memory_space<vmem>> -> memref<128xi32, #tpu.memory_space<vmem>>
        %dma_start3A_487 = arith.constant 0 : i32
        %dma_start3A_488 = arith.constant 0 : i32
        %dma_start3A_489 = tpu.memref_slice %arg2[%dma_start3A_487, %dma_start3A_488] : memref<1007616x32xf32, #tpu.memory_space<hbm>> -> memref<1007616x32xf32, #tpu.memory_space<hbm>>
        tpu.enqueue_indirect_dma source(%dma_start3A_489 : memref<1007616x32xf32, #tpu.memory_space<hbm>>) target(%dma_start3A_483 : memref<128x32xf32, #tpu.memory_space<vmem>>) offsets(%dma_start3A_486 : memref<128xi32, #tpu.memory_space<vmem>>) semaphore(%arg7 : memref<!tpu.dma_semaphore, #tpu.memory_space<semaphore_mem>>)
      } else {
      }
      %dma_wait3A_307 = arith.constant 4 : i32
      %dma_wait3A_308 = arith.constant 0 : i32
      %dma_wait3A_309 = arith.constant 0 : i32
      %dma_wait3A_310 = tpu.memref_slice %arg6[%dma_wait3A_307, %dma_wait3A_308, %dma_wait3A_309] : memref<8x128x32xf32, #tpu.memory_space<vmem>> -> memref<1x128x32xf32, #tpu.memory_space<vmem>>
      %dma_wait3A_311 = tpu.memref_squeeze %dma_wait3A_310 : memref<1x128x32xf32, #tpu.memory_space<vmem>> -> memref<128x32xf32, #tpu.memory_space<vmem>>
      %dma_wait3A_312 = arith.constant 0 : i32
      %dma_wait3A_313 = arith.constant 0 : i32
      %dma_wait3A_314 = tpu.memref_slice %arg2[%dma_wait3A_312, %dma_wait3A_313] : memref<1007616x32xf32, #tpu.memory_space<hbm>> -> memref<128x32xf32, #tpu.memory_space<hbm>>
      %dma_wait3A_315 = arith.constant 0 : i32
      %dma_wait3A_316 = arith.constant 0 : i32
      %dma_wait3A_317 = tpu.memref_slice %arg6[%dma_wait3A_307, %dma_wait3A_315, %dma_wait3A_316] : memref<8x128x32xf32, #tpu.memory_space<vmem>> -> memref<1x128x32xf32, #tpu.memory_space<vmem>>
      %dma_wait3A_318 = tpu.memref_squeeze %dma_wait3A_317 : memref<1x128x32xf32, #tpu.memory_space<vmem>> -> memref<128x32xf32, #tpu.memory_space<vmem>>
      %dma_wait3A_319 = arith.constant 0 : i32
      %dma_wait3A_320 = arith.constant 0 : i32
      %dma_wait3A_321 = tpu.memref_slice %arg2[%dma_wait3A_319, %dma_wait3A_320] : memref<1007616x32xf32, #tpu.memory_space<hbm>> -> memref<128x32xf32, #tpu.memory_space<hbm>>
      tpu.wait_dma2 semaphore(%arg11 : memref<!tpu.dma_semaphore, #tpu.memory_space<semaphore_mem>>) src(%dma_wait3A_321 : memref<128x32xf32, #tpu.memory_space<hbm>>) dst(%dma_wait3A_318 : memref<128x32xf32, #tpu.memory_space<vmem>>)
      %mul3A_322 = arith.constant 128 : i32
      %mul3A_323 = arith.muli %add3A_294, %mul3A_322 : i32
      %add3A_324 = arith.addi %mul3A_2, %mul3A_323 : i32
      %dma_start3A_325 = arith.constant 4 : i32
      %dma_start3A_326 = arith.constant 0 : i32
      %dma_start3A_327 = arith.constant 0 : i32
      %dma_start3A_328 = tpu.memref_slice %arg6[%dma_start3A_325, %dma_start3A_326, %dma_start3A_327] : memref<8x128x32xf32, #tpu.memory_space<vmem>> -> memref<1x128x32xf32, #tpu.memory_space<vmem>>
      %dma_start3A_329 = tpu.memref_squeeze %dma_start3A_328 : memref<1x128x32xf32, #tpu.memory_space<vmem>> -> memref<128x32xf32, #tpu.memory_space<vmem>>
      %dma_start3A_330 = arith.constant 0 : i32
      %dma_start3A_331 = tpu.memref_slice %arg4[%add3A_324, %dma_start3A_330] : memref<819200x32xf32, #tpu.memory_space<hbm>> -> memref<128x32xf32, #tpu.memory_space<hbm>>
      %dma_start3A_332 = arith.constant 0 : i32
      %dma_start3A_333 = tpu.memref_slice %arg4[%add3A_324, %dma_start3A_332] : memref<819200x32xf32, #tpu.memory_space<hbm>> -> memref<128x32xf32, #tpu.memory_space<hbm>>
      %dma_start3A_334 = arith.constant 0 : i32
      %dma_start3A_335 = arith.constant 0 : i32
      %dma_start3A_336 = tpu.memref_slice %arg6[%dma_start3A_325, %dma_start3A_334, %dma_start3A_335] : memref<8x128x32xf32, #tpu.memory_space<vmem>> -> memref<1x128x32xf32, #tpu.memory_space<vmem>>
      %dma_start3A_337 = tpu.memref_squeeze %dma_start3A_336 : memref<1x128x32xf32, #tpu.memory_space<vmem>> -> memref<128x32xf32, #tpu.memory_space<vmem>>
      tpu.enqueue_dma source(%dma_start3A_337 : memref<128x32xf32, #tpu.memory_space<vmem>>) target(%dma_start3A_333 : memref<128x32xf32, #tpu.memory_space<hbm>>) target_semaphore(%arg19 : memref<!tpu.dma_semaphore, #tpu.memory_space<semaphore_mem>>)
      %mul3A_338 = arith.constant 8 : i32
      %mul3A_339 = arith.muli %scan3A_106, %mul3A_338 : i32
      %add3A_340 = arith.constant 5 : i32
      %add3A_341 = arith.addi %mul3A_339, %add3A_340 : i32
      %add3A_342 = arith.constant 4 : i32
      %add3A_343 = arith.addi %add3A_341, %add3A_342 : i32
      %ge3A_344 = arith.constant 8 : i32
      %ge3A_345 = arith.cmpi sge, %add3A_343, %ge3A_344 : i32
      %convert_element_type3A_346 = arith.extui %ge3A_345 : i1 to i32
      %cond3A_347 = arith.constant 0 : i32
      %cond3A_348 = arith.cmpi ne, %convert_element_type3A_346, %cond3A_347 : i32
      scf.if %cond3A_348 {
        %dma_wait3A_479 = arith.constant 1 : i32
        %dma_wait3A_480 = arith.constant 0 : i32
        %dma_wait3A_481 = arith.constant 0 : i32
        %dma_wait3A_482 = tpu.memref_slice %arg6[%dma_wait3A_479, %dma_wait3A_480, %dma_wait3A_481] : memref<8x128x32xf32, #tpu.memory_space<vmem>> -> memref<1x128x32xf32, #tpu.memory_space<vmem>>
        %dma_wait3A_483 = tpu.memref_squeeze %dma_wait3A_482 : memref<1x128x32xf32, #tpu.memory_space<vmem>> -> memref<128x32xf32, #tpu.memory_space<vmem>>
        %dma_wait3A_484 = arith.constant 0 : i32
        %dma_wait3A_485 = tpu.memref_slice %arg4[%mul3A_2, %dma_wait3A_484] : memref<819200x32xf32, #tpu.memory_space<hbm>> -> memref<128x32xf32, #tpu.memory_space<hbm>>
        %dma_wait3A_486 = arith.constant 0 : i32
        %dma_wait3A_487 = tpu.memref_slice %arg4[%mul3A_2, %dma_wait3A_486] : memref<819200x32xf32, #tpu.memory_space<hbm>> -> memref<128x32xf32, #tpu.memory_space<hbm>>
        %dma_wait3A_488 = arith.constant 0 : i32
        %dma_wait3A_489 = arith.constant 0 : i32
        %dma_wait3A_490 = tpu.memref_slice %arg6[%dma_wait3A_479, %dma_wait3A_488, %dma_wait3A_489] : memref<8x128x32xf32, #tpu.memory_space<vmem>> -> memref<1x128x32xf32, #tpu.memory_space<vmem>>
        %dma_wait3A_491 = tpu.memref_squeeze %dma_wait3A_490 : memref<1x128x32xf32, #tpu.memory_space<vmem>> -> memref<128x32xf32, #tpu.memory_space<vmem>>
        tpu.wait_dma2 semaphore(%arg16 : memref<!tpu.dma_semaphore, #tpu.memory_space<semaphore_mem>>) src(%dma_wait3A_491 : memref<128x32xf32, #tpu.memory_space<vmem>>) dst(%dma_wait3A_487 : memref<128x32xf32, #tpu.memory_space<hbm>>)
      } else {
      }
      %lt3A_349 = arith.constant 200 : i32
      %lt3A_350 = arith.cmpi slt, %add3A_343, %lt3A_349 : i32
      %convert_element_type3A_351 = arith.extui %lt3A_350 : i1 to i32
      %cond3A_352 = arith.constant 0 : i32
      %cond3A_353 = arith.cmpi ne, %convert_element_type3A_351, %cond3A_352 : i32
      scf.if %cond3A_353 {
        %dma_start3A_479 = arith.constant 1 : i32
        %dma_start3A_480 = arith.constant 0 : i32
        %dma_start3A_481 = arith.constant 0 : i32
        %dma_start3A_482 = tpu.memref_slice %arg6[%dma_start3A_479, %dma_start3A_480, %dma_start3A_481] : memref<8x128x32xf32, #tpu.memory_space<vmem>> -> memref<1x128x32xf32, #tpu.memory_space<vmem>>
        %dma_start3A_483 = tpu.memref_squeeze %dma_start3A_482 : memref<1x128x32xf32, #tpu.memory_space<vmem>> -> memref<128x32xf32, #tpu.memory_space<vmem>>
        %dma_start3A_484 = arith.constant 0 : i32
        %dma_start3A_485 = tpu.memref_slice %arg5[%add3A_343, %dma_start3A_484] : memref<200x128xi32, #tpu.memory_space<vmem>> -> memref<1x128xi32, #tpu.memory_space<vmem>>
        %dma_start3A_486 = tpu.memref_squeeze %dma_start3A_485 : memref<1x128xi32, #tpu.memory_space<vmem>> -> memref<128xi32, #tpu.memory_space<vmem>>
        %dma_start3A_487 = arith.constant 0 : i32
        %dma_start3A_488 = arith.constant 0 : i32
        %dma_start3A_489 = tpu.memref_slice %arg2[%dma_start3A_487, %dma_start3A_488] : memref<1007616x32xf32, #tpu.memory_space<hbm>> -> memref<1007616x32xf32, #tpu.memory_space<hbm>>
        tpu.enqueue_indirect_dma source(%dma_start3A_489 : memref<1007616x32xf32, #tpu.memory_space<hbm>>) target(%dma_start3A_483 : memref<128x32xf32, #tpu.memory_space<vmem>>) offsets(%dma_start3A_486 : memref<128xi32, #tpu.memory_space<vmem>>) semaphore(%arg8 : memref<!tpu.dma_semaphore, #tpu.memory_space<semaphore_mem>>)
      } else {
      }
      %dma_wait3A_354 = arith.constant 5 : i32
      %dma_wait3A_355 = arith.constant 0 : i32
      %dma_wait3A_356 = arith.constant 0 : i32
      %dma_wait3A_357 = tpu.memref_slice %arg6[%dma_wait3A_354, %dma_wait3A_355, %dma_wait3A_356] : memref<8x128x32xf32, #tpu.memory_space<vmem>> -> memref<1x128x32xf32, #tpu.memory_space<vmem>>
      %dma_wait3A_358 = tpu.memref_squeeze %dma_wait3A_357 : memref<1x128x32xf32, #tpu.memory_space<vmem>> -> memref<128x32xf32, #tpu.memory_space<vmem>>
      %dma_wait3A_359 = arith.constant 0 : i32
      %dma_wait3A_360 = arith.constant 0 : i32
      %dma_wait3A_361 = tpu.memref_slice %arg2[%dma_wait3A_359, %dma_wait3A_360] : memref<1007616x32xf32, #tpu.memory_space<hbm>> -> memref<128x32xf32, #tpu.memory_space<hbm>>
      %dma_wait3A_362 = arith.constant 0 : i32
      %dma_wait3A_363 = arith.constant 0 : i32
      %dma_wait3A_364 = tpu.memref_slice %arg6[%dma_wait3A_354, %dma_wait3A_362, %dma_wait3A_363] : memref<8x128x32xf32, #tpu.memory_space<vmem>> -> memref<1x128x32xf32, #tpu.memory_space<vmem>>
      %dma_wait3A_365 = tpu.memref_squeeze %dma_wait3A_364 : memref<1x128x32xf32, #tpu.memory_space<vmem>> -> memref<128x32xf32, #tpu.memory_space<vmem>>
      %dma_wait3A_366 = arith.constant 0 : i32
      %dma_wait3A_367 = arith.constant 0 : i32
      %dma_wait3A_368 = tpu.memref_slice %arg2[%dma_wait3A_366, %dma_wait3A_367] : memref<1007616x32xf32, #tpu.memory_space<hbm>> -> memref<128x32xf32, #tpu.memory_space<hbm>>
      tpu.wait_dma2 semaphore(%arg12 : memref<!tpu.dma_semaphore, #tpu.memory_space<semaphore_mem>>) src(%dma_wait3A_368 : memref<128x32xf32, #tpu.memory_space<hbm>>) dst(%dma_wait3A_365 : memref<128x32xf32, #tpu.memory_space<vmem>>)
      %mul3A_369 = arith.constant 128 : i32
      %mul3A_370 = arith.muli %add3A_341, %mul3A_369 : i32
      %add3A_371 = arith.addi %mul3A_2, %mul3A_370 : i32
      %dma_start3A_372 = arith.constant 5 : i32
      %dma_start3A_373 = arith.constant 0 : i32
      %dma_start3A_374 = arith.constant 0 : i32
      %dma_start3A_375 = tpu.memref_slice %arg6[%dma_start3A_372, %dma_start3A_373, %dma_start3A_374] : memref<8x128x32xf32, #tpu.memory_space<vmem>> -> memref<1x128x32xf32, #tpu.memory_space<vmem>>
      %dma_start3A_376 = tpu.memref_squeeze %dma_start3A_375 : memref<1x128x32xf32, #tpu.memory_space<vmem>> -> memref<128x32xf32, #tpu.memory_space<vmem>>
      %dma_start3A_377 = arith.constant 0 : i32
      %dma_start3A_378 = tpu.memref_slice %arg4[%add3A_371, %dma_start3A_377] : memref<819200x32xf32, #tpu.memory_space<hbm>> -> memref<128x32xf32, #tpu.memory_space<hbm>>
      %dma_start3A_379 = arith.constant 0 : i32
      %dma_start3A_380 = tpu.memref_slice %arg4[%add3A_371, %dma_start3A_379] : memref<819200x32xf32, #tpu.memory_space<hbm>> -> memref<128x32xf32, #tpu.memory_space<hbm>>
      %dma_start3A_381 = arith.constant 0 : i32
      %dma_start3A_382 = arith.constant 0 : i32
      %dma_start3A_383 = tpu.memref_slice %arg6[%dma_start3A_372, %dma_start3A_381, %dma_start3A_382] : memref<8x128x32xf32, #tpu.memory_space<vmem>> -> memref<1x128x32xf32, #tpu.memory_space<vmem>>
      %dma_start3A_384 = tpu.memref_squeeze %dma_start3A_383 : memref<1x128x32xf32, #tpu.memory_space<vmem>> -> memref<128x32xf32, #tpu.memory_space<vmem>>
      tpu.enqueue_dma source(%dma_start3A_384 : memref<128x32xf32, #tpu.memory_space<vmem>>) target(%dma_start3A_380 : memref<128x32xf32, #tpu.memory_space<hbm>>) target_semaphore(%arg20 : memref<!tpu.dma_semaphore, #tpu.memory_space<semaphore_mem>>)
      %mul3A_385 = arith.constant 8 : i32
      %mul3A_386 = arith.muli %scan3A_106, %mul3A_385 : i32
      %add3A_387 = arith.constant 6 : i32
      %add3A_388 = arith.addi %mul3A_386, %add3A_387 : i32
      %add3A_389 = arith.constant 4 : i32
      %add3A_390 = arith.addi %add3A_388, %add3A_389 : i32
      %ge3A_391 = arith.constant 8 : i32
      %ge3A_392 = arith.cmpi sge, %add3A_390, %ge3A_391 : i32
      %convert_element_type3A_393 = arith.extui %ge3A_392 : i1 to i32
      %cond3A_394 = arith.constant 0 : i32
      %cond3A_395 = arith.cmpi ne, %convert_element_type3A_393, %cond3A_394 : i32
      scf.if %cond3A_395 {
        %dma_wait3A_479 = arith.constant 2 : i32
        %dma_wait3A_480 = arith.constant 0 : i32
        %dma_wait3A_481 = arith.constant 0 : i32
        %dma_wait3A_482 = tpu.memref_slice %arg6[%dma_wait3A_479, %dma_wait3A_480, %dma_wait3A_481] : memref<8x128x32xf32, #tpu.memory_space<vmem>> -> memref<1x128x32xf32, #tpu.memory_space<vmem>>
        %dma_wait3A_483 = tpu.memref_squeeze %dma_wait3A_482 : memref<1x128x32xf32, #tpu.memory_space<vmem>> -> memref<128x32xf32, #tpu.memory_space<vmem>>
        %dma_wait3A_484 = arith.constant 0 : i32
        %dma_wait3A_485 = tpu.memref_slice %arg4[%mul3A_2, %dma_wait3A_484] : memref<819200x32xf32, #tpu.memory_space<hbm>> -> memref<128x32xf32, #tpu.memory_space<hbm>>
        %dma_wait3A_486 = arith.constant 0 : i32
        %dma_wait3A_487 = tpu.memref_slice %arg4[%mul3A_2, %dma_wait3A_486] : memref<819200x32xf32, #tpu.memory_space<hbm>> -> memref<128x32xf32, #tpu.memory_space<hbm>>
        %dma_wait3A_488 = arith.constant 0 : i32
        %dma_wait3A_489 = arith.constant 0 : i32
        %dma_wait3A_490 = tpu.memref_slice %arg6[%dma_wait3A_479, %dma_wait3A_488, %dma_wait3A_489] : memref<8x128x32xf32, #tpu.memory_space<vmem>> -> memref<1x128x32xf32, #tpu.memory_space<vmem>>
        %dma_wait3A_491 = tpu.memref_squeeze %dma_wait3A_490 : memref<1x128x32xf32, #tpu.memory_space<vmem>> -> memref<128x32xf32, #tpu.memory_space<vmem>>
        tpu.wait_dma2 semaphore(%arg17 : memref<!tpu.dma_semaphore, #tpu.memory_space<semaphore_mem>>) src(%dma_wait3A_491 : memref<128x32xf32, #tpu.memory_space<vmem>>) dst(%dma_wait3A_487 : memref<128x32xf32, #tpu.memory_space<hbm>>)
      } else {
      }
      %lt3A_396 = arith.constant 200 : i32
      %lt3A_397 = arith.cmpi slt, %add3A_390, %lt3A_396 : i32
      %convert_element_type3A_398 = arith.extui %lt3A_397 : i1 to i32
      %cond3A_399 = arith.constant 0 : i32
      %cond3A_400 = arith.cmpi ne, %convert_element_type3A_398, %cond3A_399 : i32
      scf.if %cond3A_400 {
        %dma_start3A_479 = arith.constant 2 : i32
        %dma_start3A_480 = arith.constant 0 : i32
        %dma_start3A_481 = arith.constant 0 : i32
        %dma_start3A_482 = tpu.memref_slice %arg6[%dma_start3A_479, %dma_start3A_480, %dma_start3A_481] : memref<8x128x32xf32, #tpu.memory_space<vmem>> -> memref<1x128x32xf32, #tpu.memory_space<vmem>>
        %dma_start3A_483 = tpu.memref_squeeze %dma_start3A_482 : memref<1x128x32xf32, #tpu.memory_space<vmem>> -> memref<128x32xf32, #tpu.memory_space<vmem>>
        %dma_start3A_484 = arith.constant 0 : i32
        %dma_start3A_485 = tpu.memref_slice %arg5[%add3A_390, %dma_start3A_484] : memref<200x128xi32, #tpu.memory_space<vmem>> -> memref<1x128xi32, #tpu.memory_space<vmem>>
        %dma_start3A_486 = tpu.memref_squeeze %dma_start3A_485 : memref<1x128xi32, #tpu.memory_space<vmem>> -> memref<128xi32, #tpu.memory_space<vmem>>
        %dma_start3A_487 = arith.constant 0 : i32
        %dma_start3A_488 = arith.constant 0 : i32
        %dma_start3A_489 = tpu.memref_slice %arg2[%dma_start3A_487, %dma_start3A_488] : memref<1007616x32xf32, #tpu.memory_space<hbm>> -> memref<1007616x32xf32, #tpu.memory_space<hbm>>
        tpu.enqueue_indirect_dma source(%dma_start3A_489 : memref<1007616x32xf32, #tpu.memory_space<hbm>>) target(%dma_start3A_483 : memref<128x32xf32, #tpu.memory_space<vmem>>) offsets(%dma_start3A_486 : memref<128xi32, #tpu.memory_space<vmem>>) semaphore(%arg9 : memref<!tpu.dma_semaphore, #tpu.memory_space<semaphore_mem>>)
      } else {
      }
      %dma_wait3A_401 = arith.constant 6 : i32
      %dma_wait3A_402 = arith.constant 0 : i32
      %dma_wait3A_403 = arith.constant 0 : i32
      %dma_wait3A_404 = tpu.memref_slice %arg6[%dma_wait3A_401, %dma_wait3A_402, %dma_wait3A_403] : memref<8x128x32xf32, #tpu.memory_space<vmem>> -> memref<1x128x32xf32, #tpu.memory_space<vmem>>
      %dma_wait3A_405 = tpu.memref_squeeze %dma_wait3A_404 : memref<1x128x32xf32, #tpu.memory_space<vmem>> -> memref<128x32xf32, #tpu.memory_space<vmem>>
      %dma_wait3A_406 = arith.constant 0 : i32
      %dma_wait3A_407 = arith.constant 0 : i32
      %dma_wait3A_408 = tpu.memref_slice %arg2[%dma_wait3A_406, %dma_wait3A_407] : memref<1007616x32xf32, #tpu.memory_space<hbm>> -> memref<128x32xf32, #tpu.memory_space<hbm>>
      %dma_wait3A_409 = arith.constant 0 : i32
      %dma_wait3A_410 = arith.constant 0 : i32
      %dma_wait3A_411 = tpu.memref_slice %arg6[%dma_wait3A_401, %dma_wait3A_409, %dma_wait3A_410] : memref<8x128x32xf32, #tpu.memory_space<vmem>> -> memref<1x128x32xf32, #tpu.memory_space<vmem>>
      %dma_wait3A_412 = tpu.memref_squeeze %dma_wait3A_411 : memref<1x128x32xf32, #tpu.memory_space<vmem>> -> memref<128x32xf32, #tpu.memory_space<vmem>>
      %dma_wait3A_413 = arith.constant 0 : i32
      %dma_wait3A_414 = arith.constant 0 : i32
      %dma_wait3A_415 = tpu.memref_slice %arg2[%dma_wait3A_413, %dma_wait3A_414] : memref<1007616x32xf32, #tpu.memory_space<hbm>> -> memref<128x32xf32, #tpu.memory_space<hbm>>
      tpu.wait_dma2 semaphore(%arg13 : memref<!tpu.dma_semaphore, #tpu.memory_space<semaphore_mem>>) src(%dma_wait3A_415 : memref<128x32xf32, #tpu.memory_space<hbm>>) dst(%dma_wait3A_412 : memref<128x32xf32, #tpu.memory_space<vmem>>)
      %mul3A_416 = arith.constant 128 : i32
      %mul3A_417 = arith.muli %add3A_388, %mul3A_416 : i32
      %add3A_418 = arith.addi %mul3A_2, %mul3A_417 : i32
      %dma_start3A_419 = arith.constant 6 : i32
      %dma_start3A_420 = arith.constant 0 : i32
      %dma_start3A_421 = arith.constant 0 : i32
      %dma_start3A_422 = tpu.memref_slice %arg6[%dma_start3A_419, %dma_start3A_420, %dma_start3A_421] : memref<8x128x32xf32, #tpu.memory_space<vmem>> -> memref<1x128x32xf32, #tpu.memory_space<vmem>>
      %dma_start3A_423 = tpu.memref_squeeze %dma_start3A_422 : memref<1x128x32xf32, #tpu.memory_space<vmem>> -> memref<128x32xf32, #tpu.memory_space<vmem>>
      %dma_start3A_424 = arith.constant 0 : i32
      %dma_start3A_425 = tpu.memref_slice %arg4[%add3A_418, %dma_start3A_424] : memref<819200x32xf32, #tpu.memory_space<hbm>> -> memref<128x32xf32, #tpu.memory_space<hbm>>
      %dma_start3A_426 = arith.constant 0 : i32
      %dma_start3A_427 = tpu.memref_slice %arg4[%add3A_418, %dma_start3A_426] : memref<819200x32xf32, #tpu.memory_space<hbm>> -> memref<128x32xf32, #tpu.memory_space<hbm>>
      %dma_start3A_428 = arith.constant 0 : i32
      %dma_start3A_429 = arith.constant 0 : i32
      %dma_start3A_430 = tpu.memref_slice %arg6[%dma_start3A_419, %dma_start3A_428, %dma_start3A_429] : memref<8x128x32xf32, #tpu.memory_space<vmem>> -> memref<1x128x32xf32, #tpu.memory_space<vmem>>
      %dma_start3A_431 = tpu.memref_squeeze %dma_start3A_430 : memref<1x128x32xf32, #tpu.memory_space<vmem>> -> memref<128x32xf32, #tpu.memory_space<vmem>>
      tpu.enqueue_dma source(%dma_start3A_431 : memref<128x32xf32, #tpu.memory_space<vmem>>) target(%dma_start3A_427 : memref<128x32xf32, #tpu.memory_space<hbm>>) target_semaphore(%arg21 : memref<!tpu.dma_semaphore, #tpu.memory_space<semaphore_mem>>)
      %mul3A_432 = arith.constant 8 : i32
      %mul3A_433 = arith.muli %scan3A_106, %mul3A_432 : i32
      %add3A_434 = arith.constant 7 : i32
      %add3A_435 = arith.addi %mul3A_433, %add3A_434 : i32
      %add3A_436 = arith.constant 4 : i32
      %add3A_437 = arith.addi %add3A_435, %add3A_436 : i32
      %ge3A_438 = arith.constant 8 : i32
      %ge3A_439 = arith.cmpi sge, %add3A_437, %ge3A_438 : i32
      %convert_element_type3A_440 = arith.extui %ge3A_439 : i1 to i32
      %cond3A_441 = arith.constant 0 : i32
      %cond3A_442 = arith.cmpi ne, %convert_element_type3A_440, %cond3A_441 : i32
      scf.if %cond3A_442 {
        %dma_wait3A_479 = arith.constant 3 : i32
        %dma_wait3A_480 = arith.constant 0 : i32
        %dma_wait3A_481 = arith.constant 0 : i32
        %dma_wait3A_482 = tpu.memref_slice %arg6[%dma_wait3A_479, %dma_wait3A_480, %dma_wait3A_481] : memref<8x128x32xf32, #tpu.memory_space<vmem>> -> memref<1x128x32xf32, #tpu.memory_space<vmem>>
        %dma_wait3A_483 = tpu.memref_squeeze %dma_wait3A_482 : memref<1x128x32xf32, #tpu.memory_space<vmem>> -> memref<128x32xf32, #tpu.memory_space<vmem>>
        %dma_wait3A_484 = arith.constant 0 : i32
        %dma_wait3A_485 = tpu.memref_slice %arg4[%mul3A_2, %dma_wait3A_484] : memref<819200x32xf32, #tpu.memory_space<hbm>> -> memref<128x32xf32, #tpu.memory_space<hbm>>
        %dma_wait3A_486 = arith.constant 0 : i32
        %dma_wait3A_487 = tpu.memref_slice %arg4[%mul3A_2, %dma_wait3A_486] : memref<819200x32xf32, #tpu.memory_space<hbm>> -> memref<128x32xf32, #tpu.memory_space<hbm>>
        %dma_wait3A_488 = arith.constant 0 : i32
        %dma_wait3A_489 = arith.constant 0 : i32
        %dma_wait3A_490 = tpu.memref_slice %arg6[%dma_wait3A_479, %dma_wait3A_488, %dma_wait3A_489] : memref<8x128x32xf32, #tpu.memory_space<vmem>> -> memref<1x128x32xf32, #tpu.memory_space<vmem>>
        %dma_wait3A_491 = tpu.memref_squeeze %dma_wait3A_490 : memref<1x128x32xf32, #tpu.memory_space<vmem>> -> memref<128x32xf32, #tpu.memory_space<vmem>>
        tpu.wait_dma2 semaphore(%arg18 : memref<!tpu.dma_semaphore, #tpu.memory_space<semaphore_mem>>) src(%dma_wait3A_491 : memref<128x32xf32, #tpu.memory_space<vmem>>) dst(%dma_wait3A_487 : memref<128x32xf32, #tpu.memory_space<hbm>>)
      } else {
      }
      %lt3A_443 = arith.constant 200 : i32
      %lt3A_444 = arith.cmpi slt, %add3A_437, %lt3A_443 : i32
      %convert_element_type3A_445 = arith.extui %lt3A_444 : i1 to i32
      %cond3A_446 = arith.constant 0 : i32
      %cond3A_447 = arith.cmpi ne, %convert_element_type3A_445, %cond3A_446 : i32
      scf.if %cond3A_447 {
        %dma_start3A_479 = arith.constant 3 : i32
        %dma_start3A_480 = arith.constant 0 : i32
        %dma_start3A_481 = arith.constant 0 : i32
        %dma_start3A_482 = tpu.memref_slice %arg6[%dma_start3A_479, %dma_start3A_480, %dma_start3A_481] : memref<8x128x32xf32, #tpu.memory_space<vmem>> -> memref<1x128x32xf32, #tpu.memory_space<vmem>>
        %dma_start3A_483 = tpu.memref_squeeze %dma_start3A_482 : memref<1x128x32xf32, #tpu.memory_space<vmem>> -> memref<128x32xf32, #tpu.memory_space<vmem>>
        %dma_start3A_484 = arith.constant 0 : i32
        %dma_start3A_485 = tpu.memref_slice %arg5[%add3A_437, %dma_start3A_484] : memref<200x128xi32, #tpu.memory_space<vmem>> -> memref<1x128xi32, #tpu.memory_space<vmem>>
        %dma_start3A_486 = tpu.memref_squeeze %dma_start3A_485 : memref<1x128xi32, #tpu.memory_space<vmem>> -> memref<128xi32, #tpu.memory_space<vmem>>
        %dma_start3A_487 = arith.constant 0 : i32
        %dma_start3A_488 = arith.constant 0 : i32
        %dma_start3A_489 = tpu.memref_slice %arg2[%dma_start3A_487, %dma_start3A_488] : memref<1007616x32xf32, #tpu.memory_space<hbm>> -> memref<1007616x32xf32, #tpu.memory_space<hbm>>
        tpu.enqueue_indirect_dma source(%dma_start3A_489 : memref<1007616x32xf32, #tpu.memory_space<hbm>>) target(%dma_start3A_483 : memref<128x32xf32, #tpu.memory_space<vmem>>) offsets(%dma_start3A_486 : memref<128xi32, #tpu.memory_space<vmem>>) semaphore(%arg10 : memref<!tpu.dma_semaphore, #tpu.memory_space<semaphore_mem>>)
      } else {
      }
      %dma_wait3A_448 = arith.constant 7 : i32
      %dma_wait3A_449 = arith.constant 0 : i32
      %dma_wait3A_450 = arith.constant 0 : i32
      %dma_wait3A_451 = tpu.memref_slice %arg6[%dma_wait3A_448, %dma_wait3A_449, %dma_wait3A_450] : memref<8x128x32xf32, #tpu.memory_space<vmem>> -> memref<1x128x32xf32, #tpu.memory_space<vmem>>
      %dma_wait3A_452 = tpu.memref_squeeze %dma_wait3A_451 : memref<1x128x32xf32, #tpu.memory_space<vmem>> -> memref<128x32xf32, #tpu.memory_space<vmem>>
      %dma_wait3A_453 = arith.constant 0 : i32
      %dma_wait3A_454 = arith.constant 0 : i32
      %dma_wait3A_455 = tpu.memref_slice %arg2[%dma_wait3A_453, %dma_wait3A_454] : memref<1007616x32xf32, #tpu.memory_space<hbm>> -> memref<128x32xf32, #tpu.memory_space<hbm>>
      %dma_wait3A_456 = arith.constant 0 : i32
      %dma_wait3A_457 = arith.constant 0 : i32
      %dma_wait3A_458 = tpu.memref_slice %arg6[%dma_wait3A_448, %dma_wait3A_456, %dma_wait3A_457] : memref<8x128x32xf32, #tpu.memory_space<vmem>> -> memref<1x128x32xf32, #tpu.memory_space<vmem>>
      %dma_wait3A_459 = tpu.memref_squeeze %dma_wait3A_458 : memref<1x128x32xf32, #tpu.memory_space<vmem>> -> memref<128x32xf32, #tpu.memory_space<vmem>>
      %dma_wait3A_460 = arith.constant 0 : i32
      %dma_wait3A_461 = arith.constant 0 : i32
      %dma_wait3A_462 = tpu.memref_slice %arg2[%dma_wait3A_460, %dma_wait3A_461] : memref<1007616x32xf32, #tpu.memory_space<hbm>> -> memref<128x32xf32, #tpu.memory_space<hbm>>
      tpu.wait_dma2 semaphore(%arg14 : memref<!tpu.dma_semaphore, #tpu.memory_space<semaphore_mem>>) src(%dma_wait3A_462 : memref<128x32xf32, #tpu.memory_space<hbm>>) dst(%dma_wait3A_459 : memref<128x32xf32, #tpu.memory_space<vmem>>)
      %mul3A_463 = arith.constant 128 : i32
      %mul3A_464 = arith.muli %add3A_435, %mul3A_463 : i32
      %add3A_465 = arith.addi %mul3A_2, %mul3A_464 : i32
      %dma_start3A_466 = arith.constant 7 : i32
      %dma_start3A_467 = arith.constant 0 : i32
      %dma_start3A_468 = arith.constant 0 : i32
      %dma_start3A_469 = tpu.memref_slice %arg6[%dma_start3A_466, %dma_start3A_467, %dma_start3A_468] : memref<8x128x32xf32, #tpu.memory_space<vmem>> -> memref<1x128x32xf32, #tpu.memory_space<vmem>>
      %dma_start3A_470 = tpu.memref_squeeze %dma_start3A_469 : memref<1x128x32xf32, #tpu.memory_space<vmem>> -> memref<128x32xf32, #tpu.memory_space<vmem>>
      %dma_start3A_471 = arith.constant 0 : i32
      %dma_start3A_472 = tpu.memref_slice %arg4[%add3A_465, %dma_start3A_471] : memref<819200x32xf32, #tpu.memory_space<hbm>> -> memref<128x32xf32, #tpu.memory_space<hbm>>
      %dma_start3A_473 = arith.constant 0 : i32
      %dma_start3A_474 = tpu.memref_slice %arg4[%add3A_465, %dma_start3A_473] : memref<819200x32xf32, #tpu.memory_space<hbm>> -> memref<128x32xf32, #tpu.memory_space<hbm>>
      %dma_start3A_475 = arith.constant 0 : i32
      %dma_start3A_476 = arith.constant 0 : i32
      %dma_start3A_477 = tpu.memref_slice %arg6[%dma_start3A_466, %dma_start3A_475, %dma_start3A_476] : memref<8x128x32xf32, #tpu.memory_space<vmem>> -> memref<1x128x32xf32, #tpu.memory_space<vmem>>
      %dma_start3A_478 = tpu.memref_squeeze %dma_start3A_477 : memref<1x128x32xf32, #tpu.memory_space<vmem>> -> memref<128x32xf32, #tpu.memory_space<vmem>>
      tpu.enqueue_dma source(%dma_start3A_478 : memref<128x32xf32, #tpu.memory_space<vmem>>) target(%dma_start3A_474 : memref<128x32xf32, #tpu.memory_space<hbm>>) target_semaphore(%arg22 : memref<!tpu.dma_semaphore, #tpu.memory_space<semaphore_mem>>)
    }
    %scan3A_54 = arith.constant 25 : i32
    %dma_wait3A = arith.constant 4 : i32
    %dma_wait3A_55 = arith.constant 0 : i32
    %dma_wait3A_56 = arith.constant 0 : i32
    %dma_wait3A_57 = tpu.memref_slice %arg6[%dma_wait3A, %dma_wait3A_55, %dma_wait3A_56] : memref<8x128x32xf32, #tpu.memory_space<vmem>> -> memref<1x128x32xf32, #tpu.memory_space<vmem>>
    %dma_wait3A_58 = tpu.memref_squeeze %dma_wait3A_57 : memref<1x128x32xf32, #tpu.memory_space<vmem>> -> memref<128x32xf32, #tpu.memory_space<vmem>>
    %dma_wait3A_59 = arith.constant 0 : i32
    %dma_wait3A_60 = tpu.memref_slice %arg4[%mul3A_2, %dma_wait3A_59] : memref<819200x32xf32, #tpu.memory_space<hbm>> -> memref<128x32xf32, #tpu.memory_space<hbm>>
    %dma_wait3A_61 = arith.constant 0 : i32
    %dma_wait3A_62 = tpu.memref_slice %arg4[%mul3A_2, %dma_wait3A_61] : memref<819200x32xf32, #tpu.memory_space<hbm>> -> memref<128x32xf32, #tpu.memory_space<hbm>>
    %dma_wait3A_63 = arith.constant 0 : i32
    %dma_wait3A_64 = arith.constant 0 : i32
    %dma_wait3A_65 = tpu.memref_slice %arg6[%dma_wait3A, %dma_wait3A_63, %dma_wait3A_64] : memref<8x128x32xf32, #tpu.memory_space<vmem>> -> memref<1x128x32xf32, #tpu.memory_space<vmem>>
    %dma_wait3A_66 = tpu.memref_squeeze %dma_wait3A_65 : memref<1x128x32xf32, #tpu.memory_space<vmem>> -> memref<128x32xf32, #tpu.memory_space<vmem>>
    tpu.wait_dma2 semaphore(%arg19 : memref<!tpu.dma_semaphore, #tpu.memory_space<semaphore_mem>>) src(%dma_wait3A_66 : memref<128x32xf32, #tpu.memory_space<vmem>>) dst(%dma_wait3A_62 : memref<128x32xf32, #tpu.memory_space<hbm>>)
    %dma_wait3A_67 = arith.constant 5 : i32
    %dma_wait3A_68 = arith.constant 0 : i32
    %dma_wait3A_69 = arith.constant 0 : i32
    %dma_wait3A_70 = tpu.memref_slice %arg6[%dma_wait3A_67, %dma_wait3A_68, %dma_wait3A_69] : memref<8x128x32xf32, #tpu.memory_space<vmem>> -> memref<1x128x32xf32, #tpu.memory_space<vmem>>
    %dma_wait3A_71 = tpu.memref_squeeze %dma_wait3A_70 : memref<1x128x32xf32, #tpu.memory_space<vmem>> -> memref<128x32xf32, #tpu.memory_space<vmem>>
    %dma_wait3A_72 = arith.constant 0 : i32
    %dma_wait3A_73 = tpu.memref_slice %arg4[%mul3A_2, %dma_wait3A_72] : memref<819200x32xf32, #tpu.memory_space<hbm>> -> memref<128x32xf32, #tpu.memory_space<hbm>>
    %dma_wait3A_74 = arith.constant 0 : i32
    %dma_wait3A_75 = tpu.memref_slice %arg4[%mul3A_2, %dma_wait3A_74] : memref<819200x32xf32, #tpu.memory_space<hbm>> -> memref<128x32xf32, #tpu.memory_space<hbm>>
    %dma_wait3A_76 = arith.constant 0 : i32
    %dma_wait3A_77 = arith.constant 0 : i32
    %dma_wait3A_78 = tpu.memref_slice %arg6[%dma_wait3A_67, %dma_wait3A_76, %dma_wait3A_77] : memref<8x128x32xf32, #tpu.memory_space<vmem>> -> memref<1x128x32xf32, #tpu.memory_space<vmem>>
    %dma_wait3A_79 = tpu.memref_squeeze %dma_wait3A_78 : memref<1x128x32xf32, #tpu.memory_space<vmem>> -> memref<128x32xf32, #tpu.memory_space<vmem>>
    tpu.wait_dma2 semaphore(%arg20 : memref<!tpu.dma_semaphore, #tpu.memory_space<semaphore_mem>>) src(%dma_wait3A_79 : memref<128x32xf32, #tpu.memory_space<vmem>>) dst(%dma_wait3A_75 : memref<128x32xf32, #tpu.memory_space<hbm>>)
    %dma_wait3A_80 = arith.constant 6 : i32
    %dma_wait3A_81 = arith.constant 0 : i32
    %dma_wait3A_82 = arith.constant 0 : i32
    %dma_wait3A_83 = tpu.memref_slice %arg6[%dma_wait3A_80, %dma_wait3A_81, %dma_wait3A_82] : memref<8x128x32xf32, #tpu.memory_space<vmem>> -> memref<1x128x32xf32, #tpu.memory_space<vmem>>
    %dma_wait3A_84 = tpu.memref_squeeze %dma_wait3A_83 : memref<1x128x32xf32, #tpu.memory_space<vmem>> -> memref<128x32xf32, #tpu.memory_space<vmem>>
    %dma_wait3A_85 = arith.constant 0 : i32
    %dma_wait3A_86 = tpu.memref_slice %arg4[%mul3A_2, %dma_wait3A_85] : memref<819200x32xf32, #tpu.memory_space<hbm>> -> memref<128x32xf32, #tpu.memory_space<hbm>>
    %dma_wait3A_87 = arith.constant 0 : i32
    %dma_wait3A_88 = tpu.memref_slice %arg4[%mul3A_2, %dma_wait3A_87] : memref<819200x32xf32, #tpu.memory_space<hbm>> -> memref<128x32xf32, #tpu.memory_space<hbm>>
    %dma_wait3A_89 = arith.constant 0 : i32
    %dma_wait3A_90 = arith.constant 0 : i32
    %dma_wait3A_91 = tpu.memref_slice %arg6[%dma_wait3A_80, %dma_wait3A_89, %dma_wait3A_90] : memref<8x128x32xf32, #tpu.memory_space<vmem>> -> memref<1x128x32xf32, #tpu.memory_space<vmem>>
    %dma_wait3A_92 = tpu.memref_squeeze %dma_wait3A_91 : memref<1x128x32xf32, #tpu.memory_space<vmem>> -> memref<128x32xf32, #tpu.memory_space<vmem>>
    tpu.wait_dma2 semaphore(%arg21 : memref<!tpu.dma_semaphore, #tpu.memory_space<semaphore_mem>>) src(%dma_wait3A_92 : memref<128x32xf32, #tpu.memory_space<vmem>>) dst(%dma_wait3A_88 : memref<128x32xf32, #tpu.memory_space<hbm>>)
    %dma_wait3A_93 = arith.constant 7 : i32
    %dma_wait3A_94 = arith.constant 0 : i32
    %dma_wait3A_95 = arith.constant 0 : i32
    %dma_wait3A_96 = tpu.memref_slice %arg6[%dma_wait3A_93, %dma_wait3A_94, %dma_wait3A_95] : memref<8x128x32xf32, #tpu.memory_space<vmem>> -> memref<1x128x32xf32, #tpu.memory_space<vmem>>
    %dma_wait3A_97 = tpu.memref_squeeze %dma_wait3A_96 : memref<1x128x32xf32, #tpu.memory_space<vmem>> -> memref<128x32xf32, #tpu.memory_space<vmem>>
    %dma_wait3A_98 = arith.constant 0 : i32
    %dma_wait3A_99 = tpu.memref_slice %arg4[%mul3A_2, %dma_wait3A_98] : memref<819200x32xf32, #tpu.memory_space<hbm>> -> memref<128x32xf32, #tpu.memory_space<hbm>>
    %dma_wait3A_100 = arith.constant 0 : i32
    %dma_wait3A_101 = tpu.memref_slice %arg4[%mul3A_2, %dma_wait3A_100] : memref<819200x32xf32, #tpu.memory_space<hbm>> -> memref<128x32xf32, #tpu.memory_space<hbm>>
    %dma_wait3A_102 = arith.constant 0 : i32
    %dma_wait3A_103 = arith.constant 0 : i32
    %dma_wait3A_104 = tpu.memref_slice %arg6[%dma_wait3A_93, %dma_wait3A_102, %dma_wait3A_103] : memref<8x128x32xf32, #tpu.memory_space<vmem>> -> memref<1x128x32xf32, #tpu.memory_space<vmem>>
    %dma_wait3A_105 = tpu.memref_squeeze %dma_wait3A_104 : memref<1x128x32xf32, #tpu.memory_space<vmem>> -> memref<128x32xf32, #tpu.memory_space<vmem>>
    tpu.wait_dma2 semaphore(%arg22 : memref<!tpu.dma_semaphore, #tpu.memory_space<semaphore_mem>>) src(%dma_wait3A_105 : memref<128x32xf32, #tpu.memory_space<vmem>>) dst(%dma_wait3A_101 : memref<128x32xf32, #tpu.memory_space<hbm>>)
    return
  }
}

module attributes {stable_mosaic.version = 14 : i64} {
  func.func @_tbl_xform_body(%arg0: i32, %arg1: memref<32x8192xf32, #tpu.memory_space<vmem>>, %arg2: memref<2048x128xf32, #tpu.memory_space<vmem>>) attributes {dimension_semantics = [#tpu.dimension_semantics<arbitrary>], iteration_bounds = array<i64: 123>, scalar_prefetch = 0 : i64, scratch_operands = 0 : i64, tpu.core_type = #tpu.core_type<tc>, window_params = [{transform_indices = @transform_0, window_bounds = array<i64: 32, 8192>}, {transform_indices = @transform_1, window_bounds = array<i64: 2048, 128>}]} {
    %get3A = arith.constant 0 : index
    %get3A_0 = arith.constant 0 : index
    %get3A_1 = vector.load %arg1[%get3A, %get3A_0] : memref<32x8192xf32, #tpu.memory_space<vmem>>, vector<32x8192xf32>
    %slice3A = vector.extract_strided_slice %get3A_1 {offsets = [0, 0], sizes = [32, 2048], strides = [1, 1]} : vector<32x8192xf32> to vector<32x2048xf32>
    %iota3A = tpu.iota {dimensions = array<i32: 0>} : vector<32x32xi32>
    %iota3A_2 = tpu.iota {dimensions = array<i32: 1>} : vector<32x32xi32>
    %eq3A = arith.cmpi eq, %iota3A, %iota3A_2 : vector<32x32xi32>
    %convert_element_type3A = arith.extui %eq3A : vector<32x32xi1> to vector<32x32xi32>
    %convert_element_type3A_3 = arith.sitofp %convert_element_type3A : vector<32x32xi32> to vector<32x32xf32>
    %dot_general3A = arith.constant dense<0.000000e+00> : vector<2048x32xf32>
    %dot_general3A_4 = tpu.matmul %slice3A, %convert_element_type3A_3, %dot_general3A {dimension_numbers = #tpu.dot_dimension_numbers<[0], [0], [1], [1], [0, 1, 1, 1], [], []>, precision = #tpu.contract_precision<fp32>, transpose_lhs_hint = false} : vector<32x2048xf32>, vector<32x32xf32>, vector<2048x32xf32> -> vector<2048x32xf32>
    %swap3A = arith.constant 0 : index
    %swap3A_5 = arith.constant 0 : index
    %swap3A_6 = vector.load %arg2[%swap3A, %swap3A_5] : memref<2048x128xf32, #tpu.memory_space<vmem>>, vector<2048x32xf32>
    tpu.vector_store %arg2[%swap3A, %swap3A_5], %dot_general3A_4 {strides = array<i32>} : memref<2048x128xf32, #tpu.memory_space<vmem>>, vector<2048x32xf32>,
    %slice3A_7 = vector.extract_strided_slice %get3A_1 {offsets = [0, 2048], sizes = [32, 2048], strides = [1, 1]} : vector<32x8192xf32> to vector<32x2048xf32>
    %iota3A_8 = tpu.iota {dimensions = array<i32: 0>} : vector<32x32xi32>
    %iota3A_9 = tpu.iota {dimensions = array<i32: 1>} : vector<32x32xi32>
    %eq3A_10 = arith.cmpi eq, %iota3A_8, %iota3A_9 : vector<32x32xi32>
    %convert_element_type3A_11 = arith.extui %eq3A_10 : vector<32x32xi1> to vector<32x32xi32>
    %convert_element_type3A_12 = arith.sitofp %convert_element_type3A_11 : vector<32x32xi32> to vector<32x32xf32>
    %dot_general3A_13 = arith.constant dense<0.000000e+00> : vector<2048x32xf32>
    %dot_general3A_14 = tpu.matmul %slice3A_7, %convert_element_type3A_12, %dot_general3A_13 {dimension_numbers = #tpu.dot_dimension_numbers<[0], [0], [1], [1], [0, 1, 1, 1], [], []>, precision = #tpu.contract_precision<fp32>, transpose_lhs_hint = false} : vector<32x2048xf32>, vector<32x32xf32>, vector<2048x32xf32> -> vector<2048x32xf32>
    %swap3A_15 = arith.constant 0 : index
    %swap3A_16 = arith.constant 32 : index
    %swap3A_17 = vector.load %arg2[%swap3A_15, %swap3A_16] : memref<2048x128xf32, #tpu.memory_space<vmem>>, vector<2048x32xf32>
    tpu.vector_store %arg2[%swap3A_15, %swap3A_16], %dot_general3A_14 {strides = array<i32>} : memref<2048x128xf32, #tpu.memory_space<vmem>>, vector<2048x32xf32>,
    %slice3A_18 = vector.extract_strided_slice %get3A_1 {offsets = [0, 4096], sizes = [32, 2048], strides = [1, 1]} : vector<32x8192xf32> to vector<32x2048xf32>
    %iota3A_19 = tpu.iota {dimensions = array<i32: 0>} : vector<32x32xi32>
    %iota3A_20 = tpu.iota {dimensions = array<i32: 1>} : vector<32x32xi32>
    %eq3A_21 = arith.cmpi eq, %iota3A_19, %iota3A_20 : vector<32x32xi32>
    %convert_element_type3A_22 = arith.extui %eq3A_21 : vector<32x32xi1> to vector<32x32xi32>
    %convert_element_type3A_23 = arith.sitofp %convert_element_type3A_22 : vector<32x32xi32> to vector<32x32xf32>
    %dot_general3A_24 = arith.constant dense<0.000000e+00> : vector<2048x32xf32>
    %dot_general3A_25 = tpu.matmul %slice3A_18, %convert_element_type3A_23, %dot_general3A_24 {dimension_numbers = #tpu.dot_dimension_numbers<[0], [0], [1], [1], [0, 1, 1, 1], [], []>, precision = #tpu.contract_precision<fp32>, transpose_lhs_hint = false} : vector<32x2048xf32>, vector<32x32xf32>, vector<2048x32xf32> -> vector<2048x32xf32>
    %swap3A_26 = arith.constant 0 : index
    %swap3A_27 = arith.constant 64 : index
    %swap3A_28 = vector.load %arg2[%swap3A_26, %swap3A_27] : memref<2048x128xf32, #tpu.memory_space<vmem>>, vector<2048x32xf32>
    tpu.vector_store %arg2[%swap3A_26, %swap3A_27], %dot_general3A_25 {strides = array<i32>} : memref<2048x128xf32, #tpu.memory_space<vmem>>, vector<2048x32xf32>,
    %slice3A_29 = vector.extract_strided_slice %get3A_1 {offsets = [0, 6144], sizes = [32, 2048], strides = [1, 1]} : vector<32x8192xf32> to vector<32x2048xf32>
    %iota3A_30 = tpu.iota {dimensions = array<i32: 0>} : vector<32x32xi32>
    %iota3A_31 = tpu.iota {dimensions = array<i32: 1>} : vector<32x32xi32>
    %eq3A_32 = arith.cmpi eq, %iota3A_30, %iota3A_31 : vector<32x32xi32>
    %convert_element_type3A_33 = arith.extui %eq3A_32 : vector<32x32xi1> to vector<32x32xi32>
    %convert_element_type3A_34 = arith.sitofp %convert_element_type3A_33 : vector<32x32xi32> to vector<32x32xf32>
    %dot_general3A_35 = arith.constant dense<0.000000e+00> : vector<2048x32xf32>
    %dot_general3A_36 = tpu.matmul %slice3A_29, %convert_element_type3A_34, %dot_general3A_35 {dimension_numbers = #tpu.dot_dimension_numbers<[0], [0], [1], [1], [0, 1, 1, 1], [], []>, precision = #tpu.contract_precision<fp32>, transpose_lhs_hint = false} : vector<32x2048xf32>, vector<32x32xf32>, vector<2048x32xf32> -> vector<2048x32xf32>
    %swap3A_37 = arith.constant 0 : index
    %swap3A_38 = arith.constant 96 : index
    %swap3A_39 = vector.load %arg2[%swap3A_37, %swap3A_38] : memref<2048x128xf32, #tpu.memory_space<vmem>>, vector<2048x32xf32>
    tpu.vector_store %arg2[%swap3A_37, %swap3A_38], %dot_general3A_36 {strides = array<i32>} : memref<2048x128xf32, #tpu.memory_space<vmem>>, vector<2048x32xf32>,
    return
  }
  func.func @transform_0(%arg0: i32) -> (i32, i32) {
    %c0_i32 = arith.constant 0 : i32
    %c0_i32_0 = arith.constant 0 : i32
    return %c0_i32, %arg0 : i32, i32
  }
  func.func @transform_1(%arg0: i32) -> (i32, i32) {
    %c0_i32 = arith.constant 0 : i32
    %c0_i32_0 = arith.constant 0 : i32
    return %arg0, %c0_i32 : i32, i32
  }
}

module attributes {stable_mosaic.version = 14 : i64} {
  func.func @_out_xform_body(%arg0: i32, %arg1: i32, %arg2: memref<1024x128xf32, #tpu.memory_space<vmem>>, %arg3: memref<1x32x4096xf32, #tpu.memory_space<vmem>>) attributes {dimension_semantics = [#tpu.dimension_semantics<arbitrary>, #tpu.dimension_semantics<arbitrary>], iteration_bounds = array<i64: 50, 4>, scalar_prefetch = 0 : i64, scratch_operands = 0 : i64, tpu.core_type = #tpu.core_type<tc>, window_params = [{transform_indices = @transform_0, window_bounds = array<i64: 1024, 128>}, {transform_indices = @transform_1, window_bounds = array<i64: 1, 32, 4096>}]} {
    %get3A = arith.constant 0 : index
    %get3A_0 = arith.constant 0 : index
    %get3A_1 = vector.load %arg2[%get3A, %get3A_0] : memref<1024x128xf32, #tpu.memory_space<vmem>>, vector<1024x128xf32>
    %slice3A = vector.extract_strided_slice %get3A_1 {offsets = [0, 0], sizes = [1024, 32], strides = [1, 1]} : vector<1024x128xf32> to vector<1024x32xf32>
    %iota3A = tpu.iota {dimensions = array<i32: 0>} : vector<32x32xi32>
    %iota3A_2 = tpu.iota {dimensions = array<i32: 1>} : vector<32x32xi32>
    %eq3A = arith.cmpi eq, %iota3A, %iota3A_2 : vector<32x32xi32>
    %convert_element_type3A = arith.extui %eq3A : vector<32x32xi1> to vector<32x32xi32>
    %convert_element_type3A_3 = arith.sitofp %convert_element_type3A : vector<32x32xi32> to vector<32x32xf32>
    %dot_general3A = arith.constant dense<0.000000e+00> : vector<32x1024xf32>
    %dot_general3A_4 = tpu.matmul %convert_element_type3A_3, %slice3A, %dot_general3A {dimension_numbers = #tpu.dot_dimension_numbers<[1], [1], [0], [0], [0, 0, 1, 0], [], []>, precision = #tpu.contract_precision<fp32>, transpose_lhs_hint = false} : vector<32x32xf32>, vector<1024x32xf32>, vector<32x1024xf32> -> vector<32x1024xf32>
    %swap3A = arith.constant 0 : index
    %swap3A_5 = arith.constant 0 : index
    %swap3A_6 = arith.constant 0 : index
    %swap3A_7 = vector.load %arg3[%swap3A, %swap3A_5, %swap3A_6] : memref<1x32x4096xf32, #tpu.memory_space<vmem>>, vector<1x32x1024xf32>
    %swap3A_8 = vector.shape_cast %swap3A_7 : vector<1x32x1024xf32> to vector<32x1024xf32>
    %swap3A_9 = vector.shape_cast %dot_general3A_4 : vector<32x1024xf32> to vector<1x32x1024xf32>
    tpu.vector_store %arg3[%swap3A, %swap3A_5, %swap3A_6], %swap3A_9 {strides = array<i32>} : memref<1x32x4096xf32, #tpu.memory_space<vmem>>, vector<1x32x1024xf32>,
    %slice3A_10 = vector.extract_strided_slice %get3A_1 {offsets = [0, 32], sizes = [1024, 32], strides = [1, 1]} : vector<1024x128xf32> to vector<1024x32xf32>
    %iota3A_11 = tpu.iota {dimensions = array<i32: 0>} : vector<32x32xi32>
    %iota3A_12 = tpu.iota {dimensions = array<i32: 1>} : vector<32x32xi32>
    %eq3A_13 = arith.cmpi eq, %iota3A_11, %iota3A_12 : vector<32x32xi32>
    %convert_element_type3A_14 = arith.extui %eq3A_13 : vector<32x32xi1> to vector<32x32xi32>
    %convert_element_type3A_15 = arith.sitofp %convert_element_type3A_14 : vector<32x32xi32> to vector<32x32xf32>
    %dot_general3A_16 = arith.constant dense<0.000000e+00> : vector<32x1024xf32>
    %dot_general3A_17 = tpu.matmul %convert_element_type3A_15, %slice3A_10, %dot_general3A_16 {dimension_numbers = #tpu.dot_dimension_numbers<[1], [1], [0], [0], [0, 0, 1, 0], [], []>, precision = #tpu.contract_precision<fp32>, transpose_lhs_hint = false} : vector<32x32xf32>, vector<1024x32xf32>, vector<32x1024xf32> -> vector<32x1024xf32>
    %swap3A_18 = arith.constant 0 : index
    %swap3A_19 = arith.constant 0 : index
    %swap3A_20 = arith.constant 1024 : index
    %swap3A_21 = vector.load %arg3[%swap3A_18, %swap3A_19, %swap3A_20] : memref<1x32x4096xf32, #tpu.memory_space<vmem>>, vector<1x32x1024xf32>
    %swap3A_22 = vector.shape_cast %swap3A_21 : vector<1x32x1024xf32> to vector<32x1024xf32>
    %swap3A_23 = vector.shape_cast %dot_general3A_17 : vector<32x1024xf32> to vector<1x32x1024xf32>
    tpu.vector_store %arg3[%swap3A_18, %swap3A_19, %swap3A_20], %swap3A_23 {strides = array<i32>} : memref<1x32x4096xf32, #tpu.memory_space<vmem>>, vector<1x32x1024xf32>,
    %slice3A_24 = vector.extract_strided_slice %get3A_1 {offsets = [0, 64], sizes = [1024, 32], strides = [1, 1]} : vector<1024x128xf32> to vector<1024x32xf32>
    %iota3A_25 = tpu.iota {dimensions = array<i32: 0>} : vector<32x32xi32>
    %iota3A_26 = tpu.iota {dimensions = array<i32: 1>} : vector<32x32xi32>
    %eq3A_27 = arith.cmpi eq, %iota3A_25, %iota3A_26 : vector<32x32xi32>
    %convert_element_type3A_28 = arith.extui %eq3A_27 : vector<32x32xi1> to vector<32x32xi32>
    %convert_element_type3A_29 = arith.sitofp %convert_element_type3A_28 : vector<32x32xi32> to vector<32x32xf32>
    %dot_general3A_30 = arith.constant dense<0.000000e+00> : vector<32x1024xf32>
    %dot_general3A_31 = tpu.matmul %convert_element_type3A_29, %slice3A_24, %dot_general3A_30 {dimension_numbers = #tpu.dot_dimension_numbers<[1], [1], [0], [0], [0, 0, 1, 0], [], []>, precision = #tpu.contract_precision<fp32>, transpose_lhs_hint = false} : vector<32x32xf32>, vector<1024x32xf32>, vector<32x1024xf32> -> vector<32x1024xf32>
    %swap3A_32 = arith.constant 0 : index
    %swap3A_33 = arith.constant 0 : index
    %swap3A_34 = arith.constant 2048 : index
    %swap3A_35 = vector.load %arg3[%swap3A_32, %swap3A_33, %swap3A_34] : memref<1x32x4096xf32, #tpu.memory_space<vmem>>, vector<1x32x1024xf32>
    %swap3A_36 = vector.shape_cast %swap3A_35 : vector<1x32x1024xf32> to vector<32x1024xf32>
    %swap3A_37 = vector.shape_cast %dot_general3A_31 : vector<32x1024xf32> to vector<1x32x1024xf32>
    tpu.vector_store %arg3[%swap3A_32, %swap3A_33, %swap3A_34], %swap3A_37 {strides = array<i32>} : memref<1x32x4096xf32, #tpu.memory_space<vmem>>, vector<1x32x1024xf32>,
    %slice3A_38 = vector.extract_strided_slice %get3A_1 {offsets = [0, 96], sizes = [1024, 32], strides = [1, 1]} : vector<1024x128xf32> to vector<1024x32xf32>
    %iota3A_39 = tpu.iota {dimensions = array<i32: 0>} : vector<32x32xi32>
    %iota3A_40 = tpu.iota {dimensions = array<i32: 1>} : vector<32x32xi32>
    %eq3A_41 = arith.cmpi eq, %iota3A_39, %iota3A_40 : vector<32x32xi32>
    %convert_element_type3A_42 = arith.extui %eq3A_41 : vector<32x32xi1> to vector<32x32xi32>
    %convert_element_type3A_43 = arith.sitofp %convert_element_type3A_42 : vector<32x32xi32> to vector<32x32xf32>
    %dot_general3A_44 = arith.constant dense<0.000000e+00> : vector<32x1024xf32>
    %dot_general3A_45 = tpu.matmul %convert_element_type3A_43, %slice3A_38, %dot_general3A_44 {dimension_numbers = #tpu.dot_dimension_numbers<[1], [1], [0], [0], [0, 0, 1, 0], [], []>, precision = #tpu.contract_precision<fp32>, transpose_lhs_hint = false} : vector<32x32xf32>, vector<1024x32xf32>, vector<32x1024xf32> -> vector<32x1024xf32>
    %swap3A_46 = arith.constant 0 : index
    %swap3A_47 = arith.constant 0 : index
    %swap3A_48 = arith.constant 3072 : index
    %swap3A_49 = vector.load %arg3[%swap3A_46, %swap3A_47, %swap3A_48] : memref<1x32x4096xf32, #tpu.memory_space<vmem>>, vector<1x32x1024xf32>
    %swap3A_50 = vector.shape_cast %swap3A_49 : vector<1x32x1024xf32> to vector<32x1024xf32>
    %swap3A_51 = vector.shape_cast %dot_general3A_45 : vector<32x1024xf32> to vector<1x32x1024xf32>
    tpu.vector_store %arg3[%swap3A_46, %swap3A_47, %swap3A_48], %swap3A_51 {strides = array<i32>} : memref<1x32x4096xf32, #tpu.memory_space<vmem>>, vector<1x32x1024xf32>,
    return
  }
  func.func @transform_0(%arg0: i32, %arg1: i32) -> (i32, i32) {
    %mul3A = arith.constant 4 : i32
    %mul3A_0 = arith.muli %arg0, %mul3A : i32
    %add3A = arith.addi %mul3A_0, %arg1 : i32
    %c0_i32 = arith.constant 0 : i32
    %c0_i32_1 = arith.constant 0 : i32
    return %add3A, %c0_i32 : i32, i32
  }
  func.func @transform_1(%arg0: i32, %arg1: i32) -> (i32, i32, i32) {
    %c0_i32 = arith.constant 0 : i32
    %c0_i32_0 = arith.constant 0 : i32
    return %arg0, %c0_i32, %arg1 : i32, i32, i32
  }
}

</mosaic_0001>

<sc_bundles>
// kernel: kernel.5.cloned.1.call-start
scs
__scs_entry_jumppad:
0x0: {  	(pc) =	sbr.rel $0x88, $3  }
0x1: {  	(tag) =	ssettag $0x0;
	lr =	simm.s32 $0x1  }
0x2: {  	[smem:$0x3F9F] =	sst lr;
	_ =	strace $0xD0000000  }
0x3: {  	_ = 	snop  }
0x4: {  	_ = 	snop  }
0x5: {  	_ = 	snop  }
0x6: {  	_ = 	snop  }
0x7: {  	_ = 	snop  }
__scs_overlays_trampoline_lowered:
0x8: {  	[smem:$0x3FAE] =	sst s0  }
0x9: {  	[smem:$0x3FAF] =	sst s1  }
0xa: {  	[smem:$0x3FB0] =	sst s2  }
0xb: {  	[smem:$0x3FB1] =	sst s3  }
0xc: {  	[smem:$0x3FB2] =	sst s4  }
0xd: {  	[smem:$0x3FB3] =	sst s5  }
0xe: {  	[smem:$0x3FB4] =	sst s6  }
0xf: {  	[smem:$0x3FB5] =	sst s7  }
0x10: {  	[smem:$0x3FB6] =	sst s8  }
0x11: {  	[smem:$0x3FB7] =	sst s9;
	s0 =	simm.s32 @!p0 $0x0  }
0x12: {  	s1 =	sld [smem:$0x3F9D];
	s0 =	simm.s32 @p0 $0x1  }
0x13: {  	[smem:$0x3FB8] =	sst s0;
	s0 =	simm.s32 @!p1 $0x0  }
0x14: {  	s2 =	sld [smem:$0x3F9C];
	s0 =	simm.s32 @p1 $0x1  }
0x15: {  	[smem:$0x3FB9] =	sst s0;
	s0 =	simm.s32 @!p2 $0x0  }
0x16: {  	s3 =	sld [smem:$0x3FDB];
	s0 =	simm.s32 @p2 $0x1  }
0x17: {  	s4 =	simm.s32 $0x1BF5;
	[smem:$0x3FBB] =	sst s0  }
0x18: {  	s0 =	sld [smem:$0x3F9E];
	_ =	swait.ge [sflag:s4], $0x0  }
0x19: {  	s7 =	sld [smem:$0x3F9F]  }
0x1a: {  	s8 =	sadd.s32 $0xFFFFE003, lr  }
0x1b: {  	s9 =	sadd.s32 $0xFFFFFEF7, lr;
	s5 =	simm.s32 $0xFFFFFFFF;
	p2 =	slt.u32 s8, $0xFFFFF086  }
0x1c: {  	p1 =	slt.u32 s9, $0xF7A;
	s5 =	simm.s32 @!p2 $0x0  }
0x1d: {  	s5 =	simm.s32 @p1 $0x1;
	p0 =	seq.s32 s7, s2  }
0x1e: {  	s7 =	smul.u32 @!p0 $0xF7A, s2;
	p2 =	seq.s32 @!p0 s5, $0x0  }
0x1f: {  	s9 =	smul.u32 $0xF7A, s1;
	s8 =	simm.s32 @!p0 $0x1BF5;
	p2 =	por !p2, p0  }
0x20: {  	[sflag:s8] =	ssyncset.s32 @!p0 $0xFFFFF086;
	s6 =	sadd.s32 @!p0 s3, s7;
	s7 =	simm.s32 @!p0 $0x108  }
0x21: {  	s3 =	sadd.s32 s3, s9;
	s6 =	sadd.s32 @!p0 $0x88, s6;
	s7 =	simm.s32 @p2 $0x1082  }
0x22: {  	[simem:s7], [sflag:s8] =	dma.local @!p0 [hbm:s6], $0xF7A  }
0x23: {  	s9 =	sor.u32 $0xD0000000, s2;
	s6 =	simm.s32 $0x108;
	_ =	swait.ge @!p0 [sflag:s8], $0x0  }
0x24: {  	s3 =	sadd.s32 $0x88, s3;
	s6 =	simm.s32 @!p1 $0x1082;
	[sflag:s4] =	ssyncset.s32 $0xFFFFF086  }
0x25: {  	[simem:s6], [sflag:s4] =	dma.local [hbm:s3], $0xF7A  }
0x26: {  	[smem:$0x3F9F] =	sst s1;
	(tag) =	ssettag s2;
	_ =	strace s9  }
0x27: {  	s1 =	sld [smem:$0x3FAF]  }
0x28: {  	s2 =	sld [smem:$0x3FB0]  }
0x29: {  	s4 =	sld [smem:$0x3FB2]  }
0x2a: {  	p0 =	seq.s32 s5, $0x0;
	s5 =	sld [smem:$0x3FB3]  }
0x2b: {  	s6 =	sld [smem:$0x3FB4]  }
0x2c: {  	s7 =	sld [smem:$0x3FB5]  }
0x2d: {  	s3 =	simm.s32 $0x108;
	s8 =	sld [smem:$0x3FB6]  }
0x2e: {  	s3 =	simm.s32 @!p0 $0x1082;
	s9 =	sld [smem:$0x3FB7]  }
0x2f: {  	lr =	sadd.s32 s0, s3;
	s0 =	sld [smem:$0x3FAE]  }
0x30: {  	s3 =	sld [smem:$0x3FB1]  }
0x31: {  	[smem:$0x3FBA] =	sst s10  }
0x32: {  	s10 =	sld [smem:$0x3FB8];
	_ =	sdelay $0x3  }
0x33: {  	p0 =	seq.s32 s10, $0x1;
	s10 =	sld [smem:$0x3FBA];
	_ =	sdelay $0x3  }
0x34: {  	[smem:$0x3FBA] =	sst s10  }
0x35: {  	s10 =	sld [smem:$0x3FB9];
	_ =	sdelay $0x3  }
0x36: {  	p1 =	seq.s32 s10, $0x1;
	s10 =	sld [smem:$0x3FBA];
	_ =	sdelay $0x3  }
0x37: {  	[smem:$0x3FBA] =	sst s10  }
0x38: {  	s10 =	sld [smem:$0x3FBB]  }
0x39: {  	_ = 	snop;
	(pc) =	sbr.ind lr, $3  }
0x3a: {  	_ = 	snop  }
0x3b: {  	_ = 	snop  }
0x3c: {  	p2 =	seq.s32 s10, $0x1;
	s10 =	sld [smem:$0x3FBA]  }
0x3d: {  	_ =	shalt  }
0x3e: {  	_ =	shalt  }
0x3f: {  	_ =	shalt  }
0x40: {  	_ =	shalt  }
0x41: {  	_ =	shalt  }
0x42: {  	_ =	shalt  }
0x43: {  	_ =	shalt  }
0x44: {  	_ =	shalt  }
0x45: {  	_ =	shalt  }
0x46: {  	_ =	shalt  }
0x47: {  	_ =	shalt  }
0x48: {  	_ =	shalt  }
0x49: {  	_ =	shalt  }
0x4a: {  	_ =	shalt  }
0x4b: {  	_ =	shalt  }
0x4c: {  	_ =	shalt  }
0x4d: {  	_ =	shalt  }
0x4e: {  	_ =	shalt  }
0x4f: {  	_ =	shalt  }
0x50: {  	_ =	shalt  }
0x51: {  	_ =	shalt  }
0x52: {  	_ =	shalt  }
0x53: {  	_ =	shalt  }
0x54: {  	_ =	shalt  }
0x55: {  	_ =	shalt  }
0x56: {  	_ =	shalt  }
0x57: {  	_ =	shalt  }
0x58: {  	_ =	shalt  }
0x59: {  	_ =	shalt  }
0x5a: {  	_ =	shalt  }
0x5b: {  	_ =	shalt  }
0x5c: {  	_ =	shalt  }
0x5d: {  	_ =	shalt  }
0x5e: {  	_ =	shalt  }
0x5f: {  	_ =	shalt  }
0x60: {  	_ =	shalt  }
0x61: {  	_ =	shalt  }
0x62: {  	_ =	shalt  }
0x63: {  	_ =	shalt  }
0x64: {  	_ =	shalt  }
0x65: {  	_ =	shalt  }
0x66: {  	_ =	shalt  }
0x67: {  	_ =	shalt  }
0x68: {  	_ =	shalt  }
0x69: {  	_ =	shalt  }
0x6a: {  	_ =	shalt  }
0x6b: {  	_ =	shalt  }
0x6c: {  	_ =	shalt  }
0x6d: {  	_ =	shalt  }
0x6e: {  	_ =	shalt  }
0x6f: {  	_ =	shalt  }
0x70: {  	_ =	shalt  }
0x71: {  	_ =	shalt  }
0x72: {  	_ =	shalt  }
0x73: {  	_ =	shalt  }
0x74: {  	_ =	shalt  }
0x75: {  	_ =	shalt  }
0x76: {  	_ =	shalt  }
0x77: {  	_ =	shalt  }
0x78: {  	_ =	shalt  }
0x79: {  	_ =	shalt  }
0x7a: {  	_ =	shalt  }
0x7b: {  	_ =	shalt  }
0x7c: {  	_ =	shalt  }
0x7d: {  	_ =	shalt  }
0x7e: {  	_ =	shalt  }
0x7f: {  	_ =	shalt  }
0x80: {  	_ =	shalt  }
0x81: {  	_ =	shalt  }
0x82: {  	_ =	shalt  }
0x83: {  	_ =	shalt  }
0x84: {  	_ =	shalt  }
0x85: {  	_ =	shalt  }
0x86: {  	_ =	shalt  }
0x87: {  	_ =	shalt  }
.Lfunc_end0:
.L_simem_size_0:
called_computation_lowered:
.L_overlay_start_0:
0x88: {  	s2 =	sld [smem:$0x3FD9]  }
0x89: {  	s3 =	sld [smem:$0x3FFE];
	_ =	sdelay $0x1  }
0x8a: {  	s1 =	srdreg.scid  }
0x8b: {  	s0 =	sand.u32 $0x1, s1  }
0x8c: {  	s17 =	sshll.u32 s0, $0xA;
	s2 =	sadd.s32 s3, s2  }
0x8d: {  	s2 =	sadd.s32 s2, s17  }
0x8e: {  	[smem:$0x3FC6] =	sst s2  }
0x8f: {  	_ = 	snop  }
0x90: {  	s2 =	sld [smem:$0x3FD0];
	(tm) =	ssettm $0x1  }
0x91: {  	s18 =	sld [smem:$0x3FFB];
	_ =	sdelay $0x3  }
0x92: {  	_ =	strace s18  }
0x93: {  	s3 =	sld [smem:$0x3FFC];
	_ =	sdelay $0x3  }
0x94: {  	_ =	strace s3  }
0x95: {  	s3 =	sld [smem:$0x3FFD];
	_ =	sdelay $0x3  }
0x96: {  	_ =	strace s3  }
0x97: {  	_ =	strace $0x8FFFFFFF  }
0x98: {  	s19 =	sld [smem:$0x3FDB];
	_ =	sdelay $0x1  }
0x99: {  	s4 =	simm.s32 $_scs_section_size  }
0x9a: {  	s5 =	simm.s32 $_size__tile_overlayer_lowered;
	s6 =	simm.s32 $_tile_overlayer_lowered  }
0x9b: {  	s22 =	simm.s32 $0x1BFF;
	s21 =	sshll.u32 s6, $0x1;
	s3 =	sadd.s32 s4, s19  }
0x9c: {  	s7 =	simm.s32 $0x0;
	s20 =	sshll.u32 s5, $0x1;
	s5 =	sadd.s32 s21, s3  }
0x9d: {  	[timem:s7], [sflag:s22] =	dma.local [hbm:s5], s20  }
0x9e: {  	_ =	swait.ge [sflag:s22], s20  }
0x9f: {  	s4 =	ssub.s32 $0x0, s20;
	[sflag:s22] =	ssyncset.done $0x0  }
0xa0: {  	[sflag:s22] =	ssyncadd.s32 s4;
	_ =	sdelay $0x1  }
0xa1: {  	s23 =	simm.s32 $0x1B8B  }
0xa2: {  	_ =	swait.ge [sflag:s23], $0x1  }
0xa3: {  	[sflag:s23] =	ssyncset.done $0x0  }
0xa4: {  	s25 =	simm.s32 $0x1B8E;
	s24 =	sld [smem:$0x3FFE];
	[sflag:s23] =	ssyncadd.s32 $0xFFFFFFFF  }
0xa5: {  	s26 =	simm.s32 $execute0_lowered;
	[smem:$0x3FD2] =	sst s25  }
0xa6: {  	s5 =	sshll.u32 s26, $0x1;
	_ =	strace $0x80000046;
	[dreg:$0x1] =	wrdreg $0xFFFFFFFF  }
0xa7: {  	s28 =	simm.s32 $_size_execute0_lowered;
	s3 =	sadd.s32 s3, s5;
	[dreg:$0x0] =	wrdreg $0x0  }
0xa8: {  	s5 =	sshll.u32 s28, $0x1;
	[dreg:$0x2] =	wrdreg s3  }
0xa9: {  	[dreg:$0x3] =	wrdreg s5  }
0xaa: {  	[dreg:$0x4] =	wrdreg $0xC0  }
0xab: {  	_ =	task [dreg:s7], $0x5FFFF  }
0xac: {  	[dreg:$0x1] =	wrdreg $0xFFFFFFFF  }
0xad: {  	[dreg:$0x0] =	wrdreg $0x60  }
0xae: {  	[dreg:$0x2] =	wrdreg s24  }
0xaf: {  	[dreg:$0x3] =	wrdreg s2  }
0xb0: {  	[dreg:$0x4] =	wrdreg $0x9  }
0xb1: {  	_ =	task.clear_ibuf [dreg:s7], $0x5FFFF;
	_ =	strace $0x90000046  }
0xb2: {  	s29 =	simm.s32 $0x9;
	_ =	strace $0x80000048  }
0xb3: {  	_ =	swait.ge [sflag:s29], $0x1  }
0xb4: {  	[sflag:s29] =	ssyncadd.s32 $0xFFFFFFFF  }
0xb5: {  	_ =	strace $0x90000048  }
0xb6: {  	_ =	sfence  }
0xb7: {  	s30 =	sld [smem:$0x0];
	_ =	sdelay $0x2  }
0xb8: {  	s31 =	sshll.u32 s1, $0xD;
	s1 =	sshrl.u32 s1, $0x2  }
0xb9: {  	s3 =	sand.u32 $0x4000, s31;
	s1 =	sadd.s32 s1, s30  }
0xba: {  	s0 =	sor.u32 s3, s0;
	s1 =	sshll.u32 s1, $0x11  }
0xbb: {  	s0 =	sor.u32 s1, s0  }
0xbc: {  	s0 =	sadd.s32 $0x8F2B, s0  }
0xbd: {  	[sflag:s0] =	ssyncadd.remote.s32 $0x1  }
0xbe: {  	_ =	sfence.sel $0xFFFF  }
0xbf: {  	[dreg:$0x0] =	wrdreg $0xFFFFFFFF;
	(pc) =	sbr.abs _section_cstart, $3  }
0xc0: {  	[dreg:$0x1] =	wrdreg $0xFFFFFFFF  }
0xc1: {  	_ =	task.clear_ibuf [dreg:s7], $0x2FFFF;
	_ =	strace $0x9FFFFFFF  }
0xc2: {  	(tm) =	ssettm $0x7FFFFFFF  }
0xc3: {  	_ =	shalt  }
tec
execute0_lowered:
.L_overlay_start_1:
0x0: {  	(tag) =	ssettag $0x1  }
0x1: {  	s0 =	rddreg [dreg:$0x0]  }
0x2: {  	s1 =	rddreg [dreg:$0x1]  }
0x3: {  	s3 =	srdreg.scid;
	s9 =	stileid.u32  }
0x4: {  	s2 =	simm.s32 $0x0;
	s13 =	simm.s32 $0x9400;
	s28 =	simm.s32 $0x7  }
0x5: {  	s29 =	simm.s32 $0xC;
	s30 =	simm.s32 $0x8;
	s4 =	sand.u32 $0x1, s3  }
0x6: {  	s5 =	smul.u32 $0x190000, s9;
	[smem:$0x7FF] =	sst s2;
	s3 =	sadd.s32 $0x400, s0  }
0x7: {  	s7 =	smul.u32 $0xC800, s9;
	s9 =	sshll.u32 s9, $0x1;
	s0 =	sadd.s32 $0x3D8400, s0  }
0x8: {  	s6 =	smul.u32 $0xC8000, s4;
	_ =	strace $0x80000047;
	s8 =	ssub.s32 $0x2, s4  }
0x9: {  	s10 =	smul.u32 $0x6400, s4;
	s4 =	sor.u32 s4, s9;
	s9 =	simm.s32 $0x7400  }
0xa: {  	s11 =	sshrl.u32 s8, $0x1;
	s4 =	smul.u32 $0x6400, s4;
	s5 =	sadd.s32 s6, s5  }
0xb: {  	s14 =	sadd.s32 s10, s7;
	s15 =	ssub.s32 s8, s11;
	s7 =	simm.s32 $0x80  }
0xc: {  	s11 =	simm.s32 $0x8400;
	s16 =	sshrl.u32 s5, $0x3;
	s6 =	sshll.u32 s14, $0x2  }
0xd: {  	s4 =	sshrl.u32 s4, $0x3;
	s19 =	sor.u32 $0x7000, s5;
	s22 =	sor.u32 $0x6000, s5  }
0xe: {  	s24 =	sor.u32 $0x5000, s5;
	s5 =	sor.u32 $0x4000, s5;
	s31 =	smax.u32 s15, $0x1  }
0xf: {  	s14 =	simm.s32 $0xA400;
	s15 =	simm.s32 $0x1;
	s8 =	sadd.s32 s16, s0  }
0x10: {  	s6 =	sadd.s32 s6, s0;
	s1 =	sadd.s32 s1, s4;
	s4 =	sshrl.u32 s19, $0x3  }
0x11: {  	s23 =	sshrl.u32 s22, $0x3;
	s26 =	sshrl.u32 s5, $0x3;
	[dreg:$0xc] =	wrdreg s31  }
0x12: {  	s16 =	simm.s32 $0xB400;
	s19 =	simm.s32 $0x3;
	[dreg:$0xb] =	wrdreg s1  }
0x13: {  	s22 =	simm.s32 $0x9;
	[dreg:$0x3] =	wrdreg s8;
	s17 =	sadd.s32 $0x600, s6  }
0x14: {  	s18 =	sadd.s32 $0x400, s6;
	s20 =	sadd.s32 $0x200, s6;
	[dreg:$0x4] =	wrdreg s17  }
0x15: {  	s21 =	sadd.s32 s4, s0;
	s1 =	sadd.s32 s23, s0;
	[dreg:$0x5] =	wrdreg s18  }
0x16: {  	s4 =	sshrl.u32 s24, $0x3;
	s8 =	simm.s32 $0x6400;
	[dreg:$0x6] =	wrdreg s20  }
0x17: {  	s23 =	simm.s32 $0x5;
	s24 =	simm.s32 $0xA;
	[dreg:$0x7] =	wrdreg s21  }
0x18: {  	[dreg:$0x8] =	wrdreg s1;
	s25 =	sadd.s32 s4, s0;
	s0 =	sadd.s32 s26, s0  }
0x19: {  	s17 =	simm.s32 $0x2;
	s18 =	simm.s32 $0xC400;
	s20 =	simm.s32 $0xD400  }
0x1a: {  	s21 =	simm.s32 $0x4;
	s26 =	simm.s32 $0xB;
	[dreg:$0x9] =	wrdreg s25  }
0x1b: {  	s4 =	simm.s32 $0x0;
	[dreg:$0xa] =	wrdreg s0;
	s25 =	simm.s32 $0x6  }
.LBB2_1:
0x1c: {  	[dreg:$0xd] =	wrdreg s4  }
0x1d: {  	s0 =	rddreg [dreg:$0xb];
	s5 =	simm.s32 $0x11  }
0x1e: {  	[tilespmem:s2], [sflag:$0x11] =	stream.linear.gather [hbm4b:s0+s2], $0x6400, $0x38;
	[tilespmem:$0xE400] =	vst v63  }
0x1f: {  	_ =	swait.ge [sflag:s5], $0x6400  }
0x20: {  	[sflag:s5] =	ssyncset.done $0x0  }
0x21: {  	[sflag:s5] =	ssyncadd.s32 $0xFFFF9C00  }
0x22: {  	[tilespmem:s8], [sflag:$0x1] =	stream.indirect.gather [hbm4b:s3+s7], $0x20, s2, s7, $0xb8;
	[tilespmem:$0xE400] =	vst v63  }
0x23: {  	p0 =	por $0x1, $0x1  }
0x24: {  	[tilespmem:s9], [sflag:$0x2] =	stream.indirect.gather [hbm4b:s3+s7], $0x20, s7, s7, $0xb8;
	[tilespmem:$0xE400] =	vst v63  }
0x25: {  	s6 =	simm.s32 $0x100;
	p0 =	por p0, p0  }
0x26: {  	[tilespmem:s11], [sflag:$0x3] =	stream.indirect.gather [hbm4b:s3+s7], $0x20, s6, s7, $0xb8;
	[tilespmem:$0xE400] =	vst v63  }
0x27: {  	s10 =	simm.s32 $0x180;
	s4 =	simm.s32 @!p0 $0xD  }
0x28: {  	[tilespmem:s13], [sflag:$0x4] =	stream.indirect.gather [hbm4b:s3+s7], $0x20, s10, s7, $0xb8;
	[tilespmem:$0xE400] =	vst v63  }
0x29: {  	_ =	swait.ge @!p0 [sflag:s4], $0x1000  }
0x2a: {  	[sflag:s4] =	ssyncset.done @!p0 $0x0  }
0x2b: {  	s12 =	simm.s32 $0x200;
	[sflag:s4] =	ssyncadd.s32 @!p0 $0xFFFFF000  }
0x2c: {  	[tilespmem:s14], [sflag:$0x5] =	stream.indirect.gather [hbm4b:s3+s7], $0x20, s12, s7, $0xb8;
	[tilespmem:$0xE400] =	vst v63  }
0x2d: {  	_ =	swait.ge [sflag:s15], $0x1000  }
0x2e: {  	s0 =	rddreg [dreg:$0x3];
	[sflag:s15] =	ssyncset.done $0x0  }
0x2f: {  	s5 =	simm.s32 @!p0 $0xE;
	[sflag:s15] =	ssyncadd.s32 $0xFFFFF000;
	s4 =	sadd.s32 $0x0, s0  }
0x30: {  	[hbm4b:s4+s2] =	stream.linear.scatter [tilespmem:s8], [sflag:$0x9], $0x1000, $0x38;
	[tilespmem:$0xE400] =	vst v63  }
0x31: {  	_ =	swait.ge @!p0 [sflag:s5], $0x1000  }
0x32: {  	[sflag:s5] =	ssyncset.done @!p0 $0x0  }
0x33: {  	s1 =	simm.s32 $0x280;
	[sflag:s5] =	ssyncadd.s32 @!p0 $0xFFFFF000  }
0x34: {  	[tilespmem:s16], [sflag:$0x6] =	stream.indirect.gather [hbm4b:s3+s7], $0x20, s1, s7, $0xb8;
	[tilespmem:$0xE400] =	vst v63  }
0x35: {  	_ =	swait.ge [sflag:s17], $0x1000  }
0x36: {  	s5 =	rddreg [dreg:$0x6];
	[sflag:s17] =	ssyncset.done $0x0  }
0x37: {  	[sflag:s17] =	ssyncadd.s32 $0xFFFFF000;
	s4 =	sadd.s32 $0x0, s5;
	s5 =	simm.s32 @!p0 $0xF  }
0x38: {  	[hbm4b:s4+s2] =	stream.linear.scatter [tilespmem:s9], [sflag:$0xA], $0x1000, $0x38;
	[tilespmem:$0xE400] =	vst v63  }
0x39: {  	_ =	swait.ge @!p0 [sflag:s5], $0x1000  }
0x3a: {  	[sflag:s5] =	ssyncset.done @!p0 $0x0  }
0x3b: {  	s6 =	simm.s32 $0x300;
	[sflag:s5] =	ssyncadd.s32 @!p0 $0xFFFFF000  }
0x3c: {  	[tilespmem:s18], [sflag:$0x7] =	stream.indirect.gather [hbm4b:s3+s7], $0x20, s6, s7, $0xb8;
	[tilespmem:$0xE400] =	vst v63  }
0x3d: {  	_ =	swait.ge [sflag:s19], $0x1000  }
0x3e: {  	s10 =	rddreg [dreg:$0x5];
	[sflag:s19] =	ssyncset.done $0x0  }
0x3f: {  	s5 =	simm.s32 @!p0 $0x10;
	[sflag:s19] =	ssyncadd.s32 $0xFFFFF000;
	s4 =	sadd.s32 $0x0, s10  }
0x40: {  	[hbm4b:s4+s2] =	stream.linear.scatter [tilespmem:s11], [sflag:$0xB], $0x1000, $0x38;
	[tilespmem:$0xE400] =	vst v63  }
0x41: {  	_ =	swait.ge @!p0 [sflag:s5], $0x1000  }
0x42: {  	[sflag:s5] =	ssyncset.done @!p0 $0x0  }
0x43: {  	s12 =	simm.s32 $0x380;
	[sflag:s5] =	ssyncadd.s32 @!p0 $0xFFFFF000  }
0x44: {  	[tilespmem:s20], [sflag:$0x8] =	stream.indirect.gather [hbm4b:s3+s7], $0x20, s12, s7, $0xb8;
	[tilespmem:$0xE400] =	vst v63  }
0x45: {  	_ =	swait.ge [sflag:s21], $0x1000  }
0x46: {  	s0 =	rddreg [dreg:$0x4];
	[sflag:s21] =	ssyncset.done $0x0  }
0x47: {  	[sflag:s21] =	ssyncadd.s32 $0xFFFFF000;
	s4 =	sadd.s32 $0x0, s0  }
0x48: {  	[hbm4b:s4+s2] =	stream.linear.scatter [tilespmem:s13], [sflag:$0xC], $0x1000, $0x38;
	[tilespmem:$0xE400] =	vst v63  }
0x49: {  	p0 =	por $0x0, $0x0;
	_ =	swait.ge [sflag:s22], $0x1000  }
0x4a: {  	s5 =	simm.s32 @!p0 $0x400;
	[sflag:s22] =	ssyncset.done $0x0  }
0x4b: {  	s6 =	simm.s32 @!p0 $0x80;
	s4 =	simm.s32 @!p0 $0x6400;
	[sflag:s22] =	ssyncadd.s32 $0xFFFFF000  }
0x4c: {  	[tilespmem:s4], [sflag:$0x1] =	stream.indirect.gather @!p0 [hbm4b:s3+s6], $0x20, s5, s6, $0xb8;
	[tilespmem:$0xE400] =	vst v63  }
0x4d: {  	_ =	swait.ge [sflag:s23], $0x1000  }
0x4e: {  	s1 =	rddreg [dreg:$0xa];
	[sflag:s23] =	ssyncset.done $0x0  }
0x4f: {  	[sflag:s23] =	ssyncadd.s32 $0xFFFFF000;
	s4 =	sadd.s32 $0x0, s1  }
0x50: {  	[hbm4b:s4+s2] =	stream.linear.scatter [tilespmem:s14], [sflag:$0xD], $0x1000, $0x38;
	[tilespmem:$0xE400] =	vst v63  }
0x51: {  	_ =	swait.ge [sflag:s24], $0x1000  }
0x52: {  	[sflag:s24] =	ssyncset.done $0x0  }
0x53: {  	s5 =	simm.s32 @!p0 $0x7400;
	s4 =	simm.s32 @!p0 $0x480;
	[sflag:s24] =	ssyncadd.s32 $0xFFFFF000  }
0x54: {  	[tilespmem:s5], [sflag:$0x2] =	stream.indirect.gather @!p0 [hbm4b:s3+s6], $0x20, s4, s6, $0xb8;
	[tilespmem:$0xE400] =	vst v63  }
0x55: {  	_ =	swait.ge [sflag:s25], $0x1000  }
0x56: {  	s5 =	rddreg [dreg:$0x9];
	[sflag:s25] =	ssyncset.done $0x0  }
0x57: {  	[sflag:s25] =	ssyncadd.s32 $0xFFFFF000;
	s4 =	sadd.s32 $0x0, s5  }
0x58: {  	[hbm4b:s4+s2] =	stream.linear.scatter [tilespmem:s16], [sflag:$0xE], $0x1000, $0x38;
	[tilespmem:$0xE400] =	vst v63  }
0x59: {  	_ =	swait.ge [sflag:s26], $0x1000  }
0x5a: {  	[sflag:s26] =	ssyncset.done $0x0  }
0x5b: {  	s5 =	simm.s32 @!p0 $0x8400;
	s4 =	simm.s32 @!p0 $0x500;
	[sflag:s26] =	ssyncadd.s32 $0xFFFFF000  }
0x5c: {  	[tilespmem:s5], [sflag:$0x3] =	stream.indirect.gather @!p0 [hbm4b:s3+s6], $0x20, s4, s6, $0xb8;
	[tilespmem:$0xE400] =	vst v63  }
0x5d: {  	_ =	swait.ge [sflag:s28], $0x1000  }
0x5e: {  	s10 =	rddreg [dreg:$0x8];
	[sflag:s28] =	ssyncset.done $0x0  }
0x5f: {  	[sflag:s28] =	ssyncadd.s32 $0xFFFFF000;
	s4 =	sadd.s32 $0x0, s10  }
0x60: {  	[hbm4b:s4+s2] =	stream.linear.scatter [tilespmem:s18], [sflag:$0xF], $0x1000, $0x38;
	[tilespmem:$0xE400] =	vst v63  }
0x61: {  	_ =	swait.ge [sflag:s29], $0x1000  }
0x62: {  	[sflag:s29] =	ssyncset.done $0x0  }
0x63: {  	s5 =	simm.s32 @!p0 $0x9400;
	s4 =	simm.s32 @!p0 $0x580;
	[sflag:s29] =	ssyncadd.s32 $0xFFFFF000  }
0x64: {  	[tilespmem:s5], [sflag:$0x4] =	stream.indirect.gather @!p0 [hbm4b:s3+s6], $0x20, s4, s6, $0xb8;
	[tilespmem:$0xE400] =	vst v63  }
0x65: {  	p6 =	por $0x0, $0x0;
	s4 =	simm.s32 $0x1000;
	_ =	swait.ge [sflag:s30], $0x1000  }
0x66: {  	s5 =	simm.s32 $0x2000;
	s12 =	rddreg [dreg:$0x7];
	[sflag:s30] =	ssyncset.done $0x0  }
0x67: {  	p0 =	por p6, p6;
	[sflag:s30] =	ssyncadd.s32 $0xFFFFF000;
	s31 =	sadd.s32 $0x0, s12  }
.LBB2_2:
0x68: {  	[hbm4b:s31+s2] =	stream.linear.scatter [tilespmem:s20], [sflag:$0x10], $0x1000, $0x38;
	[tilespmem:$0xE400] =	vst v63  }
0x69: {  	s0 =	simm.s32 @!p0 $0xD  }
0x6a: {  	_ =	swait.ge @!p0 [sflag:s0], $0x1000  }
0x6b: {  	s31 =	sshra.s32 s4, $0x2;
	[sflag:s0] =	ssyncset.done @!p0 $0x0  }
0x6c: {  	s1 =	sadd.s32 $0x200, s31;
	[sflag:s0] =	ssyncadd.s32 @!p0 $0xFFFFF000  }
0x6d: {  	[tilespmem:s14], [sflag:$0x5] =	stream.indirect.gather [hbm4b:s3+s7], $0x20, s1, s7, $0xb8;
	[tilespmem:$0xE400] =	vst v63  }
0x6e: {  	_ =	swait.ge [sflag:s15], $0x1000  }
0x6f: {  	s10 =	rddreg [dreg:$0x3];
	[sflag:s15] =	ssyncset.done $0x0  }
0x70: {  	s1 =	simm.s32 @!p0 $0xE;
	[sflag:s15] =	ssyncadd.s32 $0xFFFFF000;
	s0 =	sadd.s32 s4, s10  }
0x71: {  	[hbm4b:s0+s2] =	stream.linear.scatter [tilespmem:s8], [sflag:$0x9], $0x1000, $0x38;
	[tilespmem:$0xE400] =	vst v63  }
0x72: {  	_ =	swait.ge @!p0 [sflag:s1], $0x1000  }
0x73: {  	[sflag:s1] =	ssyncset.done @!p0 $0x0  }
0x74: {  	s12 =	sadd.s32 $0x280, s31;
	[sflag:s1] =	ssyncadd.s32 @!p0 $0xFFFFF000  }
0x75: {  	[tilespmem:s16], [sflag:$0x6] =	stream.indirect.gather [hbm4b:s3+s7], $0x20, s12, s7, $0xb8;
	[tilespmem:$0xE400] =	vst v63  }
0x76: {  	_ =	swait.ge [sflag:s17], $0x1000  }
0x77: {  	s1 =	rddreg [dreg:$0x6];
	[sflag:s17] =	ssyncset.done $0x0  }
0x78: {  	[sflag:s17] =	ssyncadd.s32 $0xFFFFF000;
	s0 =	sadd.s32 s4, s1;
	s1 =	simm.s32 @!p0 $0xF  }
0x79: {  	[hbm4b:s0+s2] =	stream.linear.scatter [tilespmem:s9], [sflag:$0xA], $0x1000, $0x38;
	[tilespmem:$0xE400] =	vst v63  }
0x7a: {  	_ =	swait.ge @!p0 [sflag:s1], $0x1000  }
0x7b: {  	[sflag:s1] =	ssyncset.done @!p0 $0x0  }
0x7c: {  	s10 =	sadd.s32 $0x300, s31;
	[sflag:s1] =	ssyncadd.s32 @!p0 $0xFFFFF000  }
0x7d: {  	[tilespmem:s18], [sflag:$0x7] =	stream.indirect.gather [hbm4b:s3+s7], $0x20, s10, s7, $0xb8;
	[tilespmem:$0xE400] =	vst v63  }
0x7e: {  	_ =	swait.ge [sflag:s19], $0x1000  }
0x7f: {  	s12 =	rddreg [dreg:$0x5];
	[sflag:s19] =	ssyncset.done $0x0  }
0x80: {  	s1 =	simm.s32 @!p0 $0x10;
	[sflag:s19] =	ssyncadd.s32 $0xFFFFF000;
	s0 =	sadd.s32 s4, s12  }
0x81: {  	[hbm4b:s0+s2] =	stream.linear.scatter [tilespmem:s11], [sflag:$0xB], $0x1000, $0x38;
	[tilespmem:$0xE400] =	vst v63  }
0x82: {  	_ =	swait.ge @!p0 [sflag:s1], $0x1000  }
0x83: {  	[sflag:s1] =	ssyncset.done @!p0 $0x0  }
0x84: {  	[sflag:s1] =	ssyncadd.s32 @!p0 $0xFFFFF000;
	s1 =	sadd.s32 $0x380, s31  }
0x85: {  	[tilespmem:s20], [sflag:$0x8] =	stream.indirect.gather [hbm4b:s3+s7], $0x20, s1, s7, $0xb8;
	[tilespmem:$0xE400] =	vst v63  }
0x86: {  	_ =	swait.ge [sflag:s21], $0x1000  }
0x87: {  	s6 =	smov.u32 s5;
	s10 =	rddreg [dreg:$0x4];
	[sflag:s21] =	ssyncset.done $0x0  }
0x88: {  	p2 =	seq.s32 s6, $0x0;
	[sflag:s21] =	ssyncadd.s32 $0xFFFFF000;
	s0 =	sadd.s32 s4, s10  }
0x89: {  	[hbm4b:s0+s2] =	stream.linear.scatter [tilespmem:s13], [sflag:$0xC], $0x1000, $0x38;
	[tilespmem:$0xE400] =	vst v63  }
0x8a: {  	p0 =	por p2, p2;
	p2 =	seq.s32 s4, $0x18000;
	_ =	swait.ge [sflag:s22], $0x1000  }
0x8b: {  	s1 =	simm.s32 @!p2 $0x6400;
	s0 =	sshra.s32 @!p2 s4, $0x2;
	[sflag:s22] =	ssyncset.done $0x0  }
0x8c: {  	s31 =	simm.s32 @!p2 $0x80;
	s10 =	sadd.s32 @!p2 $0x400, s0;
	[sflag:s22] =	ssyncadd.s32 $0xFFFFF000  }
0x8d: {  	[tilespmem:s1], [sflag:$0x1] =	stream.indirect.gather @!p2 [hbm4b:s3+s31], $0x20, s10, s31, $0xb8;
	[tilespmem:$0xE400] =	vst v63  }
0x8e: {  	_ =	swait.ge [sflag:s23], $0x1000  }
0x8f: {  	s12 =	rddreg [dreg:$0xa];
	[sflag:s23] =	ssyncset.done $0x0  }
0x90: {  	[sflag:s23] =	ssyncadd.s32 $0xFFFFF000;
	s12 =	sadd.s32 s4, s12  }
0x91: {  	[hbm4b:s12+s2] =	stream.linear.scatter [tilespmem:s14], [sflag:$0xD], $0x1000, $0x38;
	[tilespmem:$0xE400] =	vst v63  }
0x92: {  	_ =	swait.ge [sflag:s24], $0x1000  }
0x93: {  	[sflag:s24] =	ssyncset.done $0x0  }
0x94: {  	s1 =	sadd.s32 @!p2 $0x480, s0;
	s12 =	simm.s32 @!p2 $0x7400;
	[sflag:s24] =	ssyncadd.s32 $0xFFFFF000  }
0x95: {  	[tilespmem:s12], [sflag:$0x2] =	stream.indirect.gather @!p2 [hbm4b:s3+s31], $0x20, s1, s31, $0xb8;
	[tilespmem:$0xE400] =	vst v63  }
0x96: {  	_ =	swait.ge [sflag:s25], $0x1000  }
0x97: {  	s12 =	rddreg [dreg:$0x9];
	[sflag:s25] =	ssyncset.done $0x0  }
0x98: {  	[sflag:s25] =	ssyncadd.s32 $0xFFFFF000;
	s1 =	sadd.s32 s4, s12  }
0x99: {  	[hbm4b:s1+s2] =	stream.linear.scatter [tilespmem:s16], [sflag:$0xE], $0x1000, $0x38;
	[tilespmem:$0xE400] =	vst v63  }
0x9a: {  	_ =	swait.ge [sflag:s26], $0x1000  }
0x9b: {  	[sflag:s26] =	ssyncset.done $0x0  }
0x9c: {  	s10 =	sadd.s32 @!p2 $0x500, s0;
	s1 =	simm.s32 @!p2 $0x8400;
	[sflag:s26] =	ssyncadd.s32 $0xFFFFF000  }
0x9d: {  	[tilespmem:s1], [sflag:$0x3] =	stream.indirect.gather @!p2 [hbm4b:s3+s31], $0x20, s10, s31, $0xb8;
	[tilespmem:$0xE400] =	vst v63  }
0x9e: {  	_ =	swait.ge [sflag:s28], $0x1000  }
0x9f: {  	s10 =	rddreg [dreg:$0x8];
	[sflag:s28] =	ssyncset.done $0x0  }
0xa0: {  	[sflag:s28] =	ssyncadd.s32 $0xFFFFF000;
	s1 =	sadd.s32 s4, s10  }
0xa1: {  	[hbm4b:s1+s2] =	stream.linear.scatter [tilespmem:s18], [sflag:$0xF], $0x1000, $0x38;
	[tilespmem:$0xE400] =	vst v63  }
0xa2: {  	s5 =	sadd.s32 $0x1000, s5;
	_ =	swait.ge [sflag:s29], $0x1000  }
0xa3: {  	p1 =	sne.s32 s5, $0x19000;
	s0 =	sadd.s32 @!p2 $0x580, s0;
	[sflag:s29] =	ssyncset.done $0x0  }
.Ltmp0:
0xa4: {  	s1 =	simm.s32 @!p2 $0x9400;
	[sflag:s29] =	ssyncadd.s32 $0xFFFFF000;
	(pc) =	sbr.rel @p1 .LBB2_2-.Ltmp0, $4  }
0xa5: {  	[tilespmem:s1], [sflag:$0x4] =	stream.indirect.gather @!p2 [hbm4b:s3+s31], $0x20, s0, s31, $0xb8;
	[tilespmem:$0xE400] =	vst v63  }
0xa6: {  	_ =	swait.ge [sflag:s30], $0x1000  }
0xa7: {  	[sflag:s30] =	ssyncset.done $0x0;
	s12 =	rddreg [dreg:$0x7]  }
0xa8: {  	[sflag:s30] =	ssyncadd.s32 $0xFFFFF000;
	s31 =	sadd.s32 s4, s12;
	s4 =	smov.u32 s6  }
0xa9: {  	[hbm4b:s31+s2] =	stream.linear.scatter [tilespmem:s20], [sflag:$0x10], $0x1000, $0x38;
	[tilespmem:$0xE400] =	vst v63  }
0xaa: {  	s0 =	simm.s32 @!p0 $0xD  }
0xab: {  	_ =	swait.ge @!p0 [sflag:s0], $0x1000  }
0xac: {  	s1 =	sshra.s32 s4, $0x2;
	[sflag:s0] =	ssyncset.done @!p0 $0x0  }
0xad: {  	s31 =	sadd.s32 $0x200, s1;
	[sflag:s0] =	ssyncadd.s32 @!p0 $0xFFFFF000  }
0xae: {  	[tilespmem:s14], [sflag:$0x5] =	stream.indirect.gather [hbm4b:s3+s7], $0x20, s31, s7, $0xb8;
	[tilespmem:$0xE400] =	vst v63  }
0xaf: {  	_ =	swait.ge [sflag:s15], $0x1000  }
0xb0: {  	s5 =	rddreg [dreg:$0x3];
	[sflag:s15] =	ssyncset.done $0x0  }
0xb1: {  	[sflag:s15] =	ssyncadd.s32 $0xFFFFF000;
	s0 =	sadd.s32 s4, s5;
	s5 =	simm.s32 @!p0 $0xE  }
0xb2: {  	[hbm4b:s0+s2] =	stream.linear.scatter [tilespmem:s8], [sflag:$0x9], $0x1000, $0x38;
	[tilespmem:$0xE400] =	vst v63  }
0xb3: {  	_ =	swait.ge @!p0 [sflag:s5], $0x1000  }
0xb4: {  	[sflag:s5] =	ssyncset.done @!p0 $0x0  }
0xb5: {  	s6 =	sadd.s32 $0x280, s1;
	[sflag:s5] =	ssyncadd.s32 @!p0 $0xFFFFF000  }
0xb6: {  	[tilespmem:s16], [sflag:$0x6] =	stream.indirect.gather [hbm4b:s3+s7], $0x20, s6, s7, $0xb8;
	[tilespmem:$0xE400] =	vst v63  }
0xb7: {  	_ =	swait.ge [sflag:s17], $0x1000  }
0xb8: {  	s10 =	rddreg [dreg:$0x6];
	[sflag:s17] =	ssyncset.done $0x0  }
0xb9: {  	s5 =	simm.s32 @!p0 $0xF;
	[sflag:s17] =	ssyncadd.s32 $0xFFFFF000;
	s0 =	sadd.s32 s4, s10  }
0xba: {  	[hbm4b:s0+s2] =	stream.linear.scatter [tilespmem:s9], [sflag:$0xA], $0x1000, $0x38;
	[tilespmem:$0xE400] =	vst v63  }
0xbb: {  	_ =	swait.ge @!p0 [sflag:s5], $0x1000  }
0xbc: {  	[sflag:s5] =	ssyncset.done @!p0 $0x0  }
0xbd: {  	s12 =	sadd.s32 $0x300, s1;
	[sflag:s5] =	ssyncadd.s32 @!p0 $0xFFFFF000  }
0xbe: {  	[tilespmem:s18], [sflag:$0x7] =	stream.indirect.gather [hbm4b:s3+s7], $0x20, s12, s7, $0xb8;
	[tilespmem:$0xE400] =	vst v63  }
0xbf: {  	_ =	swait.ge [sflag:s19], $0x1000  }
0xc0: {  	s31 =	rddreg [dreg:$0x5];
	[sflag:s19] =	ssyncset.done $0x0  }
0xc1: {  	s5 =	simm.s32 @!p0 $0x10;
	[sflag:s19] =	ssyncadd.s32 $0xFFFFF000;
	s0 =	sadd.s32 s4, s31  }
0xc2: {  	[hbm4b:s0+s2] =	stream.linear.scatter [tilespmem:s11], [sflag:$0xB], $0x1000, $0x38;
	[tilespmem:$0xE400] =	vst v63  }
0xc3: {  	_ =	swait.ge @!p0 [sflag:s5], $0x1000  }
0xc4: {  	[sflag:s5] =	ssyncset.done @!p0 $0x0  }
0xc5: {  	[sflag:s5] =	ssyncadd.s32 @!p0 $0xFFFFF000;
	s5 =	sadd.s32 $0x380, s1  }
0xc6: {  	[tilespmem:s20], [sflag:$0x8] =	stream.indirect.gather [hbm4b:s3+s7], $0x20, s5, s7, $0xb8;
	[tilespmem:$0xE400] =	vst v63  }
0xc7: {  	_ =	swait.ge [sflag:s21], $0x1000  }
0xc8: {  	s6 =	rddreg [dreg:$0x4];
	[sflag:s21] =	ssyncset.done $0x0  }
0xc9: {  	[sflag:s21] =	ssyncadd.s32 $0xFFFFF000;
	s0 =	sadd.s32 s4, s6  }
0xca: {  	[hbm4b:s0+s2] =	stream.linear.scatter [tilespmem:s13], [sflag:$0xC], $0x1000, $0x38;
	[tilespmem:$0xE400] =	vst v63  }
0xcb: {  	p0 =	seq.s32 s4, $0x18000;
	_ =	swait.ge [sflag:s22], $0x1000  }
0xcc: {  	s1 =	simm.s32 @!p0 $0x6400;
	s0 =	sshra.s32 @!p0 s4, $0x2;
	[sflag:s22] =	ssyncset.done $0x0  }
0xcd: {  	s6 =	simm.s32 @!p0 $0x80;
	s5 =	sadd.s32 @!p0 $0x400, s0;
	[sflag:s22] =	ssyncadd.s32 $0xFFFFF000  }
0xce: {  	[tilespmem:s1], [sflag:$0x1] =	stream.indirect.gather @!p0 [hbm4b:s3+s6], $0x20, s5, s6, $0xb8;
	[tilespmem:$0xE400] =	vst v63  }
0xcf: {  	_ =	swait.ge [sflag:s23], $0x1000  }
0xd0: {  	s10 =	rddreg [dreg:$0xa];
	[sflag:s23] =	ssyncset.done $0x0  }
0xd1: {  	[sflag:s23] =	ssyncadd.s32 $0xFFFFF000;
	s1 =	sadd.s32 s4, s10  }
0xd2: {  	[hbm4b:s1+s2] =	stream.linear.scatter [tilespmem:s14], [sflag:$0xD], $0x1000, $0x38;
	[tilespmem:$0xE400] =	vst v63  }
0xd3: {  	_ =	swait.ge [sflag:s24], $0x1000  }
0xd4: {  	[sflag:s24] =	ssyncset.done $0x0  }
0xd5: {  	s5 =	simm.s32 @!p0 $0x7400;
	s1 =	sadd.s32 @!p0 $0x480, s0;
	[sflag:s24] =	ssyncadd.s32 $0xFFFFF000  }
0xd6: {  	[tilespmem:s5], [sflag:$0x2] =	stream.indirect.gather @!p0 [hbm4b:s3+s6], $0x20, s1, s6, $0xb8;
	[tilespmem:$0xE400] =	vst v63  }
0xd7: {  	_ =	swait.ge [sflag:s25], $0x1000  }
0xd8: {  	s12 =	rddreg [dreg:$0x9];
	[sflag:s25] =	ssyncset.done $0x0  }
0xd9: {  	[sflag:s25] =	ssyncadd.s32 $0xFFFFF000;
	s1 =	sadd.s32 s4, s12  }
0xda: {  	[hbm4b:s1+s2] =	stream.linear.scatter [tilespmem:s16], [sflag:$0xE], $0x1000, $0x38;
	[tilespmem:$0xE400] =	vst v63  }
0xdb: {  	_ =	swait.ge [sflag:s26], $0x1000  }
0xdc: {  	[sflag:s26] =	ssyncset.done $0x0  }
0xdd: {  	s5 =	simm.s32 @!p0 $0x8400;
	s1 =	sadd.s32 @!p0 $0x500, s0;
	[sflag:s26] =	ssyncadd.s32 $0xFFFFF000  }
0xde: {  	[tilespmem:s5], [sflag:$0x3] =	stream.indirect.gather @!p0 [hbm4b:s3+s6], $0x20, s1, s6, $0xb8;
	[tilespmem:$0xE400] =	vst v63  }
0xdf: {  	_ =	swait.ge [sflag:s28], $0x1000  }
0xe0: {  	s31 =	rddreg [dreg:$0x8];
	[sflag:s28] =	ssyncset.done $0x0  }
0xe1: {  	[sflag:s28] =	ssyncadd.s32 $0xFFFFF000;
	s1 =	sadd.s32 s4, s31  }
0xe2: {  	[hbm4b:s1+s2] =	stream.linear.scatter [tilespmem:s18], [sflag:$0xF], $0x1000, $0x38;
	[tilespmem:$0xE400] =	vst v63  }
0xe3: {  	_ =	swait.ge [sflag:s29], $0x1000  }
0xe4: {  	[sflag:s29] =	ssyncset.done $0x0  }
0xe5: {  	s0 =	sadd.s32 @!p0 $0x580, s0;
	s1 =	simm.s32 @!p0 $0x9400;
	[sflag:s29] =	ssyncadd.s32 $0xFFFFF000  }
0xe6: {  	[tilespmem:s1], [sflag:$0x4] =	stream.indirect.gather @!p0 [hbm4b:s3+s6], $0x20, s0, s6, $0xb8;
	[tilespmem:$0xE400] =	vst v63  }
0xe7: {  	_ =	swait.ge [sflag:s30], $0x1000  }
0xe8: {  	s1 =	rddreg [dreg:$0x7];
	[sflag:s30] =	ssyncset.done $0x0  }
0xe9: {  	s0 =	sadd.s32 s4, s1;
	[sflag:s30] =	ssyncadd.s32 $0xFFFFF000;
	s4 =	simm.s32 $0xD  }
0xea: {  	[hbm4b:s0+s2] =	stream.linear.scatter [tilespmem:s20], [sflag:$0x10], $0x1000, $0x38;
	[tilespmem:$0xE400] =	vst v63  }
0xeb: {  	_ =	swait.ge [sflag:s4], $0x1000  }
0xec: {  	[sflag:s4] =	ssyncset.done $0x0  }
0xed: {  	s5 =	simm.s32 $0xE;
	[sflag:s4] =	ssyncadd.s32 $0xFFFFF000  }
0xee: {  	_ =	swait.ge [sflag:s5], $0x1000  }
0xef: {  	[sflag:s5] =	ssyncset.done $0x0  }
0xf0: {  	s6 =	simm.s32 $0xF;
	[sflag:s5] =	ssyncadd.s32 $0xFFFFF000  }
0xf1: {  	_ =	swait.ge [sflag:s6], $0x1000  }
0xf2: {  	[sflag:s6] =	ssyncset.done $0x0  }
0xf3: {  	s10 =	simm.s32 $0x10;
	[sflag:s6] =	ssyncadd.s32 $0xFFFFF000  }
0xf4: {  	_ =	swait.ge [sflag:s10], $0x1000  }
0xf5: {  	s12 =	rddreg [dreg:$0xd]  }
0xf6: {  	s31 =	rddreg [dreg:$0xc];
	s4 =	sadd.s32 $0x1, s12  }
0xf7: {  	p0 =	sne.s32 s4, s31  }
.Ltmp1:
0xf8: {  	_ = 	snop;
	(pc) =	sbr.rel @p0 .LBB2_1-.Ltmp1, $3  }
0xf9: {  	_ =	sdelay $0x1  }
0xfa: {  	[sflag:s10] =	ssyncset.done $0x0  }
0xfb: {  	[sflag:s10] =	ssyncadd.s32 $0xFFFFF000  }
0xfc: {  	_ =	sfence.sel $0x180000  }
0xfd: {  	[bflag:$0x0] =	sbarrier.arrive $0xFFFF  }
0xfe: {  	_ =	strace $0x90000047  }
0xff: {  	s0 =	stileid.u32;
	[bflag:$0x2] =	sbarrier.arrive $0xFFFF  }
0x100: {  	p0 =	sne.s32 s0, $0x0;
	s0 =	rddreg [dreg:$0x2]  }
0x101: {  	s0 =	sadd.s32 @!p0 $0x100000, s0  }
0x102: {  	[sflag:s0] =	ssyncadd.tile.s32 @!p0 $0x1;
	_ =	shalt  }
.Lfunc_end2:
_tile_overlayer_lowered:
.L_overlay_start_2:
0x103: {  	(tag) =	ssettag $0x2  }
0x104: {  	s0 =	rddreg [dreg:$0x0];
	s2 =	stileid.u32  }
0x105: {  	s1 =	rddreg [dreg:$0x1];
	p0 =	sne.s32 s2, $0x0  }
0x106: {  	s3 =	rddreg [dreg:$0x2];
	[bflag:$0x3] =	sbarrier.arrive $0xFFFF;
	s2 =	simm.s32 @!p0 $0x1C11  }
0x107: {  	[timem:s3], [sflag:s2] =	dma.local @!p0 [hbm:s0], s1  }
0x108: {  	s0 =	simm.s32 @!p0 $0x11  }
0x109: {  	_ =	swait.ge @!p0 [sflag:s0], s1  }
0x10a: {  	s1 =	ssub.s32 @!p0 $0x0, s1;
	[sflag:s0] =	ssyncset.done @!p0 $0x0  }
0x10b: {  	[sflag:s0] =	ssyncadd.s32 @!p0 s1  }
0x10c: {  	[bflag:$0x3] =	sbarrier.arrive $0xFFFF  }
0x10d: {  	_ =	shalt  }

</sc_bundles>
